<compile_context>
chip_gen: v7x
topology: tpu7x:2x2x1
jax: 0.10.2.dev20260603
libtpu: 0.0.44.dev20260713+nightly
codegen_flags: <defaults>
</compile_context>

<pallas_src>
import functools

import jax
import jax.numpy as jnp
from jax import lax
from jax.experimental import pallas as pl
from jax.experimental.pallas import tpu as pltpu
from jax.experimental.pallas import tpu_sc as plsc


def kernel(x, table):
    (B,) = x.shape
    V, D = table.shape

    info = plsc.get_sparse_core_info()
    NC, NS = info.num_cores, info.num_subcores

    CHUNK = 128
    GROUP = 16
    n_chunks = B // CHUNK
    n_groups = n_chunks // GROUP

    mesh = plsc.VectorSubcoreMesh(core_axis_name="c", subcore_axis_name="s")

    @functools.partial(
        pl.kernel,
        mesh=mesh,
        compiler_params=pltpu.CompilerParams(use_tc_tiling_on_sc=False),
        out_type=jax.ShapeDtypeStruct((D, n_chunks, CHUNK), jnp.float32),
        scratch_types=[
            pltpu.VMEM((n_chunks, CHUNK), jnp.int32),
            pltpu.VMEM((n_chunks, CHUNK), jnp.float32),
            pltpu.SemaphoreType.DMA,
        ],
    )
    def gather(idx_hbm, tbl_hbm, out_hbm, idx_v, row_v, sem):
        d = lax.axis_index("s") * NC + lax.axis_index("c")
        row = tbl_hbm.at[d]
        pltpu.sync_copy(idx_hbm, idx_v)

        def group(g, _):
            base = g * GROUP
            copies = [
                pltpu.async_copy(
                    row.at[idx_v.at[base + j]],
                    row_v.at[base + j],
                    sem,
                )
                for j in range(GROUP)
            ]
            for c in copies:
                c.wait()
            return ()

        lax.fori_loop(0, n_groups, group, ())
        pltpu.sync_copy(row_v, out_hbm.at[d])

    out_t = gather(x.astype(jnp.int32).reshape(n_chunks, CHUNK), table.T)
    return out_t.reshape(D, B).T

# --- scband reference (transcript-rebuilt; emitter-appended) ---
"""Pipeline reference for scband-color-embedding-5360119186062 (READ-ONLY COPY).

The authoritative reference and input builder live on the scoring server;
editing this copy changes nothing except your own understanding.
"""

import jax, jax.numpy as jnp
import numpy as np

N_COLORS = 1000000
EMBED_DIM = 32
BATCH = 16384

def setup_inputs(seed: int = 0) -> dict:
    key = jax.random.key(seed)
    k1, k2 = jax.random.split(key)
    x = jax.random.randint(k1, (BATCH,), 0, N_COLORS, dtype=jnp.int64 if jax.config.jax_enable_x64 else jnp.int32)
    # nn.Embedding default init: N(0, 1)
    table = jax.random.normal(k2, (N_COLORS, EMBED_DIM), dtype=jnp.float32)
    return {"x": x, "table": table}

def reference(x, table):
    # Faithful translation of nn.Embedding lookup: gather rows by index.
    return jnp.take(table, x, axis=0)

if __name__ == "__main__":
    import jax
    _d = setup_inputs()
    print(jax.jit(kernel)(*tuple(_d.values())))

</pallas_src>

<mosaic_0001>
#map = affine_map<(d0, d1) -> (0, 0)>
#map1 = affine_map<(d0, d1) -> (0, 0, 0)>
module attributes {stable_mosaic.version = 14 : i64} {
  func.func @gather(%arg0: i32, %arg1: i32, %arg2: memref<128x128xi32, #tpu.memory_space<hbm>>, %arg3: memref<32x1000000xf32, #tpu.memory_space<hbm>>, %arg4: memref<32x128x128xf32, #tpu.memory_space<hbm>>, %arg5: memref<128x128xi32, #tpu.memory_space<vmem>>, %arg6: memref<128x128xf32, #tpu.memory_space<vmem>>, %arg7: memref<!tpu.dma_semaphore, #tpu.memory_space<semaphore_mem>>) attributes {dimension_semantics = [#tpu.dimension_semantics<core_parallel>, #tpu.dimension_semantics<subcore_parallel>], iteration_bounds = array<i64: 2, 16>, scalar_prefetch = 0 : i64, scratch_operands = 3 : i64, tpu.core_type = #tpu.core_type<sc_vector_subcore>, window_params = [{transform_indices = #map}, {transform_indices = #map}, {transform_indices = #map1}]} {
    %mul3A = arith.constant 2 : i32
    %mul3A_0 = arith.muli %arg1, %mul3A : i32
    %add3A = arith.addi %mul3A_0, %arg0 : i32
    "tpu.region"() ({
      %run_scoped3A = tpu.sem_alloc : memref<!tpu.dma_semaphore, #tpu.memory_space<semaphore_mem>>
      tpu.enqueue_dma source(%arg2 : memref<128x128xi32, #tpu.memory_space<hbm>>) target(%arg5 : memref<128x128xi32, #tpu.memory_space<vmem>>) target_semaphore(%run_scoped3A : memref<!tpu.dma_semaphore, #tpu.memory_space<semaphore_mem>>)
      tpu.wait_dma2 semaphore(%run_scoped3A : memref<!tpu.dma_semaphore, #tpu.memory_space<semaphore_mem>>) src(%arg2 : memref<128x128xi32, #tpu.memory_space<hbm>>) dst(%arg5 : memref<128x128xi32, #tpu.memory_space<vmem>>)
      tpu.yield
    }) : () -> ()
    %scan3A = arith.constant 0 : i32
    %scan3A_1 = arith.constant 8 : i32
    %scan3A_2 = arith.addi %scan3A, %scan3A_1 : i32
    %scan3A_3 = arith.constant 1 : i32
    scf.for %scan3A_5 = %scan3A to %scan3A_2 step %scan3A_3  : i32 {
      %mul3A_6 = arith.constant 16 : i32
      %mul3A_7 = arith.muli %scan3A_5, %mul3A_6 : i32
      %add3A_8 = arith.constant 0 : i32
      %add3A_9 = arith.addi %mul3A_7, %add3A_8 : i32
      %add3A_10 = arith.constant 0 : i32
      %add3A_11 = arith.addi %mul3A_7, %add3A_10 : i32
      %dma_start3A = arith.constant 0 : i32
      %dma_start3A_12 = tpu.memref_slice %arg6[%add3A_11, %dma_start3A] : memref<128x128xf32, #tpu.memory_space<vmem>> -> memref<1x128xf32, #tpu.memory_space<vmem>>
      %dma_start3A_13 = tpu.memref_squeeze %dma_start3A_12 : memref<1x128xf32, #tpu.memory_space<vmem>> -> memref<128xf32, #tpu.memory_space<vmem>>
      %dma_start3A_14 = arith.constant 0 : i32
      %dma_start3A_15 = tpu.memref_slice %arg5[%add3A_9, %dma_start3A_14] : memref<128x128xi32, #tpu.memory_space<vmem>> -> memref<1x128xi32, #tpu.memory_space<vmem>>
      %dma_start3A_16 = tpu.memref_squeeze %dma_start3A_15 : memref<1x128xi32, #tpu.memory_space<vmem>> -> memref<128xi32, #tpu.memory_space<vmem>>
      %dma_start3A_17 = arith.constant 0 : i32
      %dma_start3A_18 = tpu.memref_slice %arg3[%add3A, %dma_start3A_17] : memref<32x1000000xf32, #tpu.memory_space<hbm>> -> memref<1x1000000xf32, #tpu.memory_space<hbm>>
      %dma_start3A_19 = tpu.memref_squeeze %dma_start3A_18 : memref<1x1000000xf32, #tpu.memory_space<hbm>> -> memref<1000000xf32, #tpu.memory_space<hbm>>
      %dma_start3A_20 = arith.constant 0 : i32
      %dma_start3A_21 = tpu.memref_slice %dma_start3A_19[%dma_start3A_20] : memref<1000000xf32, #tpu.memory_space<hbm>> -> memref<1000000xf32, #tpu.memory_space<hbm>>
      tpu.enqueue_indirect_dma source(%dma_start3A_21 : memref<1000000xf32, #tpu.memory_space<hbm>>) target(%dma_start3A_13 : memref<128xf32, #tpu.memory_space<vmem>>) offsets(%dma_start3A_16 : memref<128xi32, #tpu.memory_space<vmem>>) semaphore(%arg7 : memref<!tpu.dma_semaphore, #tpu.memory_space<semaphore_mem>>)
      %add3A_22 = arith.constant 1 : i32
      %add3A_23 = arith.addi %mul3A_7, %add3A_22 : i32
      %add3A_24 = arith.constant 1 : i32
      %add3A_25 = arith.addi %mul3A_7, %add3A_24 : i32
      %dma_start3A_26 = arith.constant 0 : i32
      %dma_start3A_27 = tpu.memref_slice %arg6[%add3A_25, %dma_start3A_26] : memref<128x128xf32, #tpu.memory_space<vmem>> -> memref<1x128xf32, #tpu.memory_space<vmem>>
      %dma_start3A_28 = tpu.memref_squeeze %dma_start3A_27 : memref<1x128xf32, #tpu.memory_space<vmem>> -> memref<128xf32, #tpu.memory_space<vmem>>
      %dma_start3A_29 = arith.constant 0 : i32
      %dma_start3A_30 = tpu.memref_slice %arg5[%add3A_23, %dma_start3A_29] : memref<128x128xi32, #tpu.memory_space<vmem>> -> memref<1x128xi32, #tpu.memory_space<vmem>>
      %dma_start3A_31 = tpu.memref_squeeze %dma_start3A_30 : memref<1x128xi32, #tpu.memory_space<vmem>> -> memref<128xi32, #tpu.memory_space<vmem>>
      %dma_start3A_32 = arith.constant 0 : i32
      %dma_start3A_33 = tpu.memref_slice %arg3[%add3A, %dma_start3A_32] : memref<32x1000000xf32, #tpu.memory_space<hbm>> -> memref<1x1000000xf32, #tpu.memory_space<hbm>>
      %dma_start3A_34 = tpu.memref_squeeze %dma_start3A_33 : memref<1x1000000xf32, #tpu.memory_space<hbm>> -> memref<1000000xf32, #tpu.memory_space<hbm>>
      %dma_start3A_35 = arith.constant 0 : i32
      %dma_start3A_36 = tpu.memref_slice %dma_start3A_34[%dma_start3A_35] : memref<1000000xf32, #tpu.memory_space<hbm>> -> memref<1000000xf32, #tpu.memory_space<hbm>>
      tpu.enqueue_indirect_dma source(%dma_start3A_36 : memref<1000000xf32, #tpu.memory_space<hbm>>) target(%dma_start3A_28 : memref<128xf32, #tpu.memory_space<vmem>>) offsets(%dma_start3A_31 : memref<128xi32, #tpu.memory_space<vmem>>) semaphore(%arg7 : memref<!tpu.dma_semaphore, #tpu.memory_space<semaphore_mem>>)
      %add3A_37 = arith.constant 2 : i32
      %add3A_38 = arith.addi %mul3A_7, %add3A_37 : i32
      %add3A_39 = arith.constant 2 : i32
      %add3A_40 = arith.addi %mul3A_7, %add3A_39 : i32
      %dma_start3A_41 = arith.constant 0 : i32
      %dma_start3A_42 = tpu.memref_slice %arg6[%add3A_40, %dma_start3A_41] : memref<128x128xf32, #tpu.memory_space<vmem>> -> memref<1x128xf32, #tpu.memory_space<vmem>>
      %dma_start3A_43 = tpu.memref_squeeze %dma_start3A_42 : memref<1x128xf32, #tpu.memory_space<vmem>> -> memref<128xf32, #tpu.memory_space<vmem>>
      %dma_start3A_44 = arith.constant 0 : i32
      %dma_start3A_45 = tpu.memref_slice %arg5[%add3A_38, %dma_start3A_44] : memref<128x128xi32, #tpu.memory_space<vmem>> -> memref<1x128xi32, #tpu.memory_space<vmem>>
      %dma_start3A_46 = tpu.memref_squeeze %dma_start3A_45 : memref<1x128xi32, #tpu.memory_space<vmem>> -> memref<128xi32, #tpu.memory_space<vmem>>
      %dma_start3A_47 = arith.constant 0 : i32
      %dma_start3A_48 = tpu.memref_slice %arg3[%add3A, %dma_start3A_47] : memref<32x1000000xf32, #tpu.memory_space<hbm>> -> memref<1x1000000xf32, #tpu.memory_space<hbm>>
      %dma_start3A_49 = tpu.memref_squeeze %dma_start3A_48 : memref<1x1000000xf32, #tpu.memory_space<hbm>> -> memref<1000000xf32, #tpu.memory_space<hbm>>
      %dma_start3A_50 = arith.constant 0 : i32
      %dma_start3A_51 = tpu.memref_slice %dma_start3A_49[%dma_start3A_50] : memref<1000000xf32, #tpu.memory_space<hbm>> -> memref<1000000xf32, #tpu.memory_space<hbm>>
      tpu.enqueue_indirect_dma source(%dma_start3A_51 : memref<1000000xf32, #tpu.memory_space<hbm>>) target(%dma_start3A_43 : memref<128xf32, #tpu.memory_space<vmem>>) offsets(%dma_start3A_46 : memref<128xi32, #tpu.memory_space<vmem>>) semaphore(%arg7 : memref<!tpu.dma_semaphore, #tpu.memory_space<semaphore_mem>>)
      %add3A_52 = arith.constant 3 : i32
      %add3A_53 = arith.addi %mul3A_7, %add3A_52 : i32
      %add3A_54 = arith.constant 3 : i32
      %add3A_55 = arith.addi %mul3A_7, %add3A_54 : i32
      %dma_start3A_56 = arith.constant 0 : i32
      %dma_start3A_57 = tpu.memref_slice %arg6[%add3A_55, %dma_start3A_56] : memref<128x128xf32, #tpu.memory_space<vmem>> -> memref<1x128xf32, #tpu.memory_space<vmem>>
      %dma_start3A_58 = tpu.memref_squeeze %dma_start3A_57 : memref<1x128xf32, #tpu.memory_space<vmem>> -> memref<128xf32, #tpu.memory_space<vmem>>
      %dma_start3A_59 = arith.constant 0 : i32
      %dma_start3A_60 = tpu.memref_slice %arg5[%add3A_53, %dma_start3A_59] : memref<128x128xi32, #tpu.memory_space<vmem>> -> memref<1x128xi32, #tpu.memory_space<vmem>>
      %dma_start3A_61 = tpu.memref_squeeze %dma_start3A_60 : memref<1x128xi32, #tpu.memory_space<vmem>> -> memref<128xi32, #tpu.memory_space<vmem>>
      %dma_start3A_62 = arith.constant 0 : i32
      %dma_start3A_63 = tpu.memref_slice %arg3[%add3A, %dma_start3A_62] : memref<32x1000000xf32, #tpu.memory_space<hbm>> -> memref<1x1000000xf32, #tpu.memory_space<hbm>>
      %dma_start3A_64 = tpu.memref_squeeze %dma_start3A_63 : memref<1x1000000xf32, #tpu.memory_space<hbm>> -> memref<1000000xf32, #tpu.memory_space<hbm>>
      %dma_start3A_65 = arith.constant 0 : i32
      %dma_start3A_66 = tpu.memref_slice %dma_start3A_64[%dma_start3A_65] : memref<1000000xf32, #tpu.memory_space<hbm>> -> memref<1000000xf32, #tpu.memory_space<hbm>>
      tpu.enqueue_indirect_dma source(%dma_start3A_66 : memref<1000000xf32, #tpu.memory_space<hbm>>) target(%dma_start3A_58 : memref<128xf32, #tpu.memory_space<vmem>>) offsets(%dma_start3A_61 : memref<128xi32, #tpu.memory_space<vmem>>) semaphore(%arg7 : memref<!tpu.dma_semaphore, #tpu.memory_space<semaphore_mem>>)
      %add3A_67 = arith.constant 4 : i32
      %add3A_68 = arith.addi %mul3A_7, %add3A_67 : i32
      %add3A_69 = arith.constant 4 : i32
      %add3A_70 = arith.addi %mul3A_7, %add3A_69 : i32
      %dma_start3A_71 = arith.constant 0 : i32
      %dma_start3A_72 = tpu.memref_slice %arg6[%add3A_70, %dma_start3A_71] : memref<128x128xf32, #tpu.memory_space<vmem>> -> memref<1x128xf32, #tpu.memory_space<vmem>>
      %dma_start3A_73 = tpu.memref_squeeze %dma_start3A_72 : memref<1x128xf32, #tpu.memory_space<vmem>> -> memref<128xf32, #tpu.memory_space<vmem>>
      %dma_start3A_74 = arith.constant 0 : i32
      %dma_start3A_75 = tpu.memref_slice %arg5[%add3A_68, %dma_start3A_74] : memref<128x128xi32, #tpu.memory_space<vmem>> -> memref<1x128xi32, #tpu.memory_space<vmem>>
      %dma_start3A_76 = tpu.memref_squeeze %dma_start3A_75 : memref<1x128xi32, #tpu.memory_space<vmem>> -> memref<128xi32, #tpu.memory_space<vmem>>
      %dma_start3A_77 = arith.constant 0 : i32
      %dma_start3A_78 = tpu.memref_slice %arg3[%add3A, %dma_start3A_77] : memref<32x1000000xf32, #tpu.memory_space<hbm>> -> memref<1x1000000xf32, #tpu.memory_space<hbm>>
      %dma_start3A_79 = tpu.memref_squeeze %dma_start3A_78 : memref<1x1000000xf32, #tpu.memory_space<hbm>> -> memref<1000000xf32, #tpu.memory_space<hbm>>
      %dma_start3A_80 = arith.constant 0 : i32
      %dma_start3A_81 = tpu.memref_slice %dma_start3A_79[%dma_start3A_80] : memref<1000000xf32, #tpu.memory_space<hbm>> -> memref<1000000xf32, #tpu.memory_space<hbm>>
      tpu.enqueue_indirect_dma source(%dma_start3A_81 : memref<1000000xf32, #tpu.memory_space<hbm>>) target(%dma_start3A_73 : memref<128xf32, #tpu.memory_space<vmem>>) offsets(%dma_start3A_76 : memref<128xi32, #tpu.memory_space<vmem>>) semaphore(%arg7 : memref<!tpu.dma_semaphore, #tpu.memory_space<semaphore_mem>>)
      %add3A_82 = arith.constant 5 : i32
      %add3A_83 = arith.addi %mul3A_7, %add3A_82 : i32
      %add3A_84 = arith.constant 5 : i32
      %add3A_85 = arith.addi %mul3A_7, %add3A_84 : i32
      %dma_start3A_86 = arith.constant 0 : i32
      %dma_start3A_87 = tpu.memref_slice %arg6[%add3A_85, %dma_start3A_86] : memref<128x128xf32, #tpu.memory_space<vmem>> -> memref<1x128xf32, #tpu.memory_space<vmem>>
      %dma_start3A_88 = tpu.memref_squeeze %dma_start3A_87 : memref<1x128xf32, #tpu.memory_space<vmem>> -> memref<128xf32, #tpu.memory_space<vmem>>
      %dma_start3A_89 = arith.constant 0 : i32
      %dma_start3A_90 = tpu.memref_slice %arg5[%add3A_83, %dma_start3A_89] : memref<128x128xi32, #tpu.memory_space<vmem>> -> memref<1x128xi32, #tpu.memory_space<vmem>>
      %dma_start3A_91 = tpu.memref_squeeze %dma_start3A_90 : memref<1x128xi32, #tpu.memory_space<vmem>> -> memref<128xi32, #tpu.memory_space<vmem>>
      %dma_start3A_92 = arith.constant 0 : i32
      %dma_start3A_93 = tpu.memref_slice %arg3[%add3A, %dma_start3A_92] : memref<32x1000000xf32, #tpu.memory_space<hbm>> -> memref<1x1000000xf32, #tpu.memory_space<hbm>>
      %dma_start3A_94 = tpu.memref_squeeze %dma_start3A_93 : memref<1x1000000xf32, #tpu.memory_space<hbm>> -> memref<1000000xf32, #tpu.memory_space<hbm>>
      %dma_start3A_95 = arith.constant 0 : i32
      %dma_start3A_96 = tpu.memref_slice %dma_start3A_94[%dma_start3A_95] : memref<1000000xf32, #tpu.memory_space<hbm>> -> memref<1000000xf32, #tpu.memory_space<hbm>>
      tpu.enqueue_indirect_dma source(%dma_start3A_96 : memref<1000000xf32, #tpu.memory_space<hbm>>) target(%dma_start3A_88 : memref<128xf32, #tpu.memory_space<vmem>>) offsets(%dma_start3A_91 : memref<128xi32, #tpu.memory_space<vmem>>) semaphore(%arg7 : memref<!tpu.dma_semaphore, #tpu.memory_space<semaphore_mem>>)
      %add3A_97 = arith.constant 6 : i32
      %add3A_98 = arith.addi %mul3A_7, %add3A_97 : i32
      %add3A_99 = arith.constant 6 : i32
      %add3A_100 = arith.addi %mul3A_7, %add3A_99 : i32
      %dma_start3A_101 = arith.constant 0 : i32
      %dma_start3A_102 = tpu.memref_slice %arg6[%add3A_100, %dma_start3A_101] : memref<128x128xf32, #tpu.memory_space<vmem>> -> memref<1x128xf32, #tpu.memory_space<vmem>>
      %dma_start3A_103 = tpu.memref_squeeze %dma_start3A_102 : memref<1x128xf32, #tpu.memory_space<vmem>> -> memref<128xf32, #tpu.memory_space<vmem>>
      %dma_start3A_104 = arith.constant 0 : i32
      %dma_start3A_105 = tpu.memref_slice %arg5[%add3A_98, %dma_start3A_104] : memref<128x128xi32, #tpu.memory_space<vmem>> -> memref<1x128xi32, #tpu.memory_space<vmem>>
      %dma_start3A_106 = tpu.memref_squeeze %dma_start3A_105 : memref<1x128xi32, #tpu.memory_space<vmem>> -> memref<128xi32, #tpu.memory_space<vmem>>
      %dma_start3A_107 = arith.constant 0 : i32
      %dma_start3A_108 = tpu.memref_slice %arg3[%add3A, %dma_start3A_107] : memref<32x1000000xf32, #tpu.memory_space<hbm>> -> memref<1x1000000xf32, #tpu.memory_space<hbm>>
      %dma_start3A_109 = tpu.memref_squeeze %dma_start3A_108 : memref<1x1000000xf32, #tpu.memory_space<hbm>> -> memref<1000000xf32, #tpu.memory_space<hbm>>
      %dma_start3A_110 = arith.constant 0 : i32
      %dma_start3A_111 = tpu.memref_slice %dma_start3A_109[%dma_start3A_110] : memref<1000000xf32, #tpu.memory_space<hbm>> -> memref<1000000xf32, #tpu.memory_space<hbm>>
      tpu.enqueue_indirect_dma source(%dma_start3A_111 : memref<1000000xf32, #tpu.memory_space<hbm>>) target(%dma_start3A_103 : memref<128xf32, #tpu.memory_space<vmem>>) offsets(%dma_start3A_106 : memref<128xi32, #tpu.memory_space<vmem>>) semaphore(%arg7 : memref<!tpu.dma_semaphore, #tpu.memory_space<semaphore_mem>>)
      %add3A_112 = arith.constant 7 : i32
      %add3A_113 = arith.addi %mul3A_7, %add3A_112 : i32
      %add3A_114 = arith.constant 7 : i32
      %add3A_115 = arith.addi %mul3A_7, %add3A_114 : i32
      %dma_start3A_116 = arith.constant 0 : i32
      %dma_start3A_117 = tpu.memref_slice %arg6[%add3A_115, %dma_start3A_116] : memref<128x128xf32, #tpu.memory_space<vmem>> -> memref<1x128xf32, #tpu.memory_space<vmem>>
      %dma_start3A_118 = tpu.memref_squeeze %dma_start3A_117 : memref<1x128xf32, #tpu.memory_space<vmem>> -> memref<128xf32, #tpu.memory_space<vmem>>
      %dma_start3A_119 = arith.constant 0 : i32
      %dma_start3A_120 = tpu.memref_slice %arg5[%add3A_113, %dma_start3A_119] : memref<128x128xi32, #tpu.memory_space<vmem>> -> memref<1x128xi32, #tpu.memory_space<vmem>>
      %dma_start3A_121 = tpu.memref_squeeze %dma_start3A_120 : memref<1x128xi32, #tpu.memory_space<vmem>> -> memref<128xi32, #tpu.memory_space<vmem>>
      %dma_start3A_122 = arith.constant 0 : i32
      %dma_start3A_123 = tpu.memref_slice %arg3[%add3A, %dma_start3A_122] : memref<32x1000000xf32, #tpu.memory_space<hbm>> -> memref<1x1000000xf32, #tpu.memory_space<hbm>>
      %dma_start3A_124 = tpu.memref_squeeze %dma_start3A_123 : memref<1x1000000xf32, #tpu.memory_space<hbm>> -> memref<1000000xf32, #tpu.memory_space<hbm>>
      %dma_start3A_125 = arith.constant 0 : i32
      %dma_start3A_126 = tpu.memref_slice %dma_start3A_124[%dma_start3A_125] : memref<1000000xf32, #tpu.memory_space<hbm>> -> memref<1000000xf32, #tpu.memory_space<hbm>>
      tpu.enqueue_indirect_dma source(%dma_start3A_126 : memref<1000000xf32, #tpu.memory_space<hbm>>) target(%dma_start3A_118 : memref<128xf32, #tpu.memory_space<vmem>>) offsets(%dma_start3A_121 : memref<128xi32, #tpu.memory_space<vmem>>) semaphore(%arg7 : memref<!tpu.dma_semaphore, #tpu.memory_space<semaphore_mem>>)
      %add3A_127 = arith.constant 8 : i32
      %add3A_128 = arith.addi %mul3A_7, %add3A_127 : i32
      %add3A_129 = arith.constant 8 : i32
      %add3A_130 = arith.addi %mul3A_7, %add3A_129 : i32
      %dma_start3A_131 = arith.constant 0 : i32
      %dma_start3A_132 = tpu.memref_slice %arg6[%add3A_130, %dma_start3A_131] : memref<128x128xf32, #tpu.memory_space<vmem>> -> memref<1x128xf32, #tpu.memory_space<vmem>>
      %dma_start3A_133 = tpu.memref_squeeze %dma_start3A_132 : memref<1x128xf32, #tpu.memory_space<vmem>> -> memref<128xf32, #tpu.memory_space<vmem>>
      %dma_start3A_134 = arith.constant 0 : i32
      %dma_start3A_135 = tpu.memref_slice %arg5[%add3A_128, %dma_start3A_134] : memref<128x128xi32, #tpu.memory_space<vmem>> -> memref<1x128xi32, #tpu.memory_space<vmem>>
      %dma_start3A_136 = tpu.memref_squeeze %dma_start3A_135 : memref<1x128xi32, #tpu.memory_space<vmem>> -> memref<128xi32, #tpu.memory_space<vmem>>
      %dma_start3A_137 = arith.constant 0 : i32
      %dma_start3A_138 = tpu.memref_slice %arg3[%add3A, %dma_start3A_137] : memref<32x1000000xf32, #tpu.memory_space<hbm>> -> memref<1x1000000xf32, #tpu.memory_space<hbm>>
      %dma_start3A_139 = tpu.memref_squeeze %dma_start3A_138 : memref<1x1000000xf32, #tpu.memory_space<hbm>> -> memref<1000000xf32, #tpu.memory_space<hbm>>
      %dma_start3A_140 = arith.constant 0 : i32
      %dma_start3A_141 = tpu.memref_slice %dma_start3A_139[%dma_start3A_140] : memref<1000000xf32, #tpu.memory_space<hbm>> -> memref<1000000xf32, #tpu.memory_space<hbm>>
      tpu.enqueue_indirect_dma source(%dma_start3A_141 : memref<1000000xf32, #tpu.memory_space<hbm>>) target(%dma_start3A_133 : memref<128xf32, #tpu.memory_space<vmem>>) offsets(%dma_start3A_136 : memref<128xi32, #tpu.memory_space<vmem>>) semaphore(%arg7 : memref<!tpu.dma_semaphore, #tpu.memory_space<semaphore_mem>>)
      %add3A_142 = arith.constant 9 : i32
      %add3A_143 = arith.addi %mul3A_7, %add3A_142 : i32
      %add3A_144 = arith.constant 9 : i32
      %add3A_145 = arith.addi %mul3A_7, %add3A_144 : i32
      %dma_start3A_146 = arith.constant 0 : i32
      %dma_start3A_147 = tpu.memref_slice %arg6[%add3A_145, %dma_start3A_146] : memref<128x128xf32, #tpu.memory_space<vmem>> -> memref<1x128xf32, #tpu.memory_space<vmem>>
      %dma_start3A_148 = tpu.memref_squeeze %dma_start3A_147 : memref<1x128xf32, #tpu.memory_space<vmem>> -> memref<128xf32, #tpu.memory_space<vmem>>
      %dma_start3A_149 = arith.constant 0 : i32
      %dma_start3A_150 = tpu.memref_slice %arg5[%add3A_143, %dma_start3A_149] : memref<128x128xi32, #tpu.memory_space<vmem>> -> memref<1x128xi32, #tpu.memory_space<vmem>>
      %dma_start3A_151 = tpu.memref_squeeze %dma_start3A_150 : memref<1x128xi32, #tpu.memory_space<vmem>> -> memref<128xi32, #tpu.memory_space<vmem>>
      %dma_start3A_152 = arith.constant 0 : i32
      %dma_start3A_153 = tpu.memref_slice %arg3[%add3A, %dma_start3A_152] : memref<32x1000000xf32, #tpu.memory_space<hbm>> -> memref<1x1000000xf32, #tpu.memory_space<hbm>>
      %dma_start3A_154 = tpu.memref_squeeze %dma_start3A_153 : memref<1x1000000xf32, #tpu.memory_space<hbm>> -> memref<1000000xf32, #tpu.memory_space<hbm>>
      %dma_start3A_155 = arith.constant 0 : i32
      %dma_start3A_156 = tpu.memref_slice %dma_start3A_154[%dma_start3A_155] : memref<1000000xf32, #tpu.memory_space<hbm>> -> memref<1000000xf32, #tpu.memory_space<hbm>>
      tpu.enqueue_indirect_dma source(%dma_start3A_156 : memref<1000000xf32, #tpu.memory_space<hbm>>) target(%dma_start3A_148 : memref<128xf32, #tpu.memory_space<vmem>>) offsets(%dma_start3A_151 : memref<128xi32, #tpu.memory_space<vmem>>) semaphore(%arg7 : memref<!tpu.dma_semaphore, #tpu.memory_space<semaphore_mem>>)
      %add3A_157 = arith.constant 10 : i32
      %add3A_158 = arith.addi %mul3A_7, %add3A_157 : i32
      %add3A_159 = arith.constant 10 : i32
      %add3A_160 = arith.addi %mul3A_7, %add3A_159 : i32
      %dma_start3A_161 = arith.constant 0 : i32
      %dma_start3A_162 = tpu.memref_slice %arg6[%add3A_160, %dma_start3A_161] : memref<128x128xf32, #tpu.memory_space<vmem>> -> memref<1x128xf32, #tpu.memory_space<vmem>>
      %dma_start3A_163 = tpu.memref_squeeze %dma_start3A_162 : memref<1x128xf32, #tpu.memory_space<vmem>> -> memref<128xf32, #tpu.memory_space<vmem>>
      %dma_start3A_164 = arith.constant 0 : i32
      %dma_start3A_165 = tpu.memref_slice %arg5[%add3A_158, %dma_start3A_164] : memref<128x128xi32, #tpu.memory_space<vmem>> -> memref<1x128xi32, #tpu.memory_space<vmem>>
      %dma_start3A_166 = tpu.memref_squeeze %dma_start3A_165 : memref<1x128xi32, #tpu.memory_space<vmem>> -> memref<128xi32, #tpu.memory_space<vmem>>
      %dma_start3A_167 = arith.constant 0 : i32
      %dma_start3A_168 = tpu.memref_slice %arg3[%add3A, %dma_start3A_167] : memref<32x1000000xf32, #tpu.memory_space<hbm>> -> memref<1x1000000xf32, #tpu.memory_space<hbm>>
      %dma_start3A_169 = tpu.memref_squeeze %dma_start3A_168 : memref<1x1000000xf32, #tpu.memory_space<hbm>> -> memref<1000000xf32, #tpu.memory_space<hbm>>
      %dma_start3A_170 = arith.constant 0 : i32
      %dma_start3A_171 = tpu.memref_slice %dma_start3A_169[%dma_start3A_170] : memref<1000000xf32, #tpu.memory_space<hbm>> -> memref<1000000xf32, #tpu.memory_space<hbm>>
      tpu.enqueue_indirect_dma source(%dma_start3A_171 : memref<1000000xf32, #tpu.memory_space<hbm>>) target(%dma_start3A_163 : memref<128xf32, #tpu.memory_space<vmem>>) offsets(%dma_start3A_166 : memref<128xi32, #tpu.memory_space<vmem>>) semaphore(%arg7 : memref<!tpu.dma_semaphore, #tpu.memory_space<semaphore_mem>>)
      %add3A_172 = arith.constant 11 : i32
      %add3A_173 = arith.addi %mul3A_7, %add3A_172 : i32
      %add3A_174 = arith.constant 11 : i32
      %add3A_175 = arith.addi %mul3A_7, %add3A_174 : i32
      %dma_start3A_176 = arith.constant 0 : i32
      %dma_start3A_177 = tpu.memref_slice %arg6[%add3A_175, %dma_start3A_176] : memref<128x128xf32, #tpu.memory_space<vmem>> -> memref<1x128xf32, #tpu.memory_space<vmem>>
      %dma_start3A_178 = tpu.memref_squeeze %dma_start3A_177 : memref<1x128xf32, #tpu.memory_space<vmem>> -> memref<128xf32, #tpu.memory_space<vmem>>
      %dma_start3A_179 = arith.constant 0 : i32
      %dma_start3A_180 = tpu.memref_slice %arg5[%add3A_173, %dma_start3A_179] : memref<128x128xi32, #tpu.memory_space<vmem>> -> memref<1x128xi32, #tpu.memory_space<vmem>>
      %dma_start3A_181 = tpu.memref_squeeze %dma_start3A_180 : memref<1x128xi32, #tpu.memory_space<vmem>> -> memref<128xi32, #tpu.memory_space<vmem>>
      %dma_start3A_182 = arith.constant 0 : i32
      %dma_start3A_183 = tpu.memref_slice %arg3[%add3A, %dma_start3A_182] : memref<32x1000000xf32, #tpu.memory_space<hbm>> -> memref<1x1000000xf32, #tpu.memory_space<hbm>>
      %dma_start3A_184 = tpu.memref_squeeze %dma_start3A_183 : memref<1x1000000xf32, #tpu.memory_space<hbm>> -> memref<1000000xf32, #tpu.memory_space<hbm>>
      %dma_start3A_185 = arith.constant 0 : i32
      %dma_start3A_186 = tpu.memref_slice %dma_start3A_184[%dma_start3A_185] : memref<1000000xf32, #tpu.memory_space<hbm>> -> memref<1000000xf32, #tpu.memory_space<hbm>>
      tpu.enqueue_indirect_dma source(%dma_start3A_186 : memref<1000000xf32, #tpu.memory_space<hbm>>) target(%dma_start3A_178 : memref<128xf32, #tpu.memory_space<vmem>>) offsets(%dma_start3A_181 : memref<128xi32, #tpu.memory_space<vmem>>) semaphore(%arg7 : memref<!tpu.dma_semaphore, #tpu.memory_space<semaphore_mem>>)
      %add3A_187 = arith.constant 12 : i32
      %add3A_188 = arith.addi %mul3A_7, %add3A_187 : i32
      %add3A_189 = arith.constant 12 : i32
      %add3A_190 = arith.addi %mul3A_7, %add3A_189 : i32
      %dma_start3A_191 = arith.constant 0 : i32
      %dma_start3A_192 = tpu.memref_slice %arg6[%add3A_190, %dma_start3A_191] : memref<128x128xf32, #tpu.memory_space<vmem>> -> memref<1x128xf32, #tpu.memory_space<vmem>>
      %dma_start3A_193 = tpu.memref_squeeze %dma_start3A_192 : memref<1x128xf32, #tpu.memory_space<vmem>> -> memref<128xf32, #tpu.memory_space<vmem>>
      %dma_start3A_194 = arith.constant 0 : i32
      %dma_start3A_195 = tpu.memref_slice %arg5[%add3A_188, %dma_start3A_194] : memref<128x128xi32, #tpu.memory_space<vmem>> -> memref<1x128xi32, #tpu.memory_space<vmem>>
      %dma_start3A_196 = tpu.memref_squeeze %dma_start3A_195 : memref<1x128xi32, #tpu.memory_space<vmem>> -> memref<128xi32, #tpu.memory_space<vmem>>
      %dma_start3A_197 = arith.constant 0 : i32
      %dma_start3A_198 = tpu.memref_slice %arg3[%add3A, %dma_start3A_197] : memref<32x1000000xf32, #tpu.memory_space<hbm>> -> memref<1x1000000xf32, #tpu.memory_space<hbm>>
      %dma_start3A_199 = tpu.memref_squeeze %dma_start3A_198 : memref<1x1000000xf32, #tpu.memory_space<hbm>> -> memref<1000000xf32, #tpu.memory_space<hbm>>
      %dma_start3A_200 = arith.constant 0 : i32
      %dma_start3A_201 = tpu.memref_slice %dma_start3A_199[%dma_start3A_200] : memref<1000000xf32, #tpu.memory_space<hbm>> -> memref<1000000xf32, #tpu.memory_space<hbm>>
      tpu.enqueue_indirect_dma source(%dma_start3A_201 : memref<1000000xf32, #tpu.memory_space<hbm>>) target(%dma_start3A_193 : memref<128xf32, #tpu.memory_space<vmem>>) offsets(%dma_start3A_196 : memref<128xi32, #tpu.memory_space<vmem>>) semaphore(%arg7 : memref<!tpu.dma_semaphore, #tpu.memory_space<semaphore_mem>>)
      %add3A_202 = arith.constant 13 : i32
      %add3A_203 = arith.addi %mul3A_7, %add3A_202 : i32
      %add3A_204 = arith.constant 13 : i32
      %add3A_205 = arith.addi %mul3A_7, %add3A_204 : i32
      %dma_start3A_206 = arith.constant 0 : i32
      %dma_start3A_207 = tpu.memref_slice %arg6[%add3A_205, %dma_start3A_206] : memref<128x128xf32, #tpu.memory_space<vmem>> -> memref<1x128xf32, #tpu.memory_space<vmem>>
      %dma_start3A_208 = tpu.memref_squeeze %dma_start3A_207 : memref<1x128xf32, #tpu.memory_space<vmem>> -> memref<128xf32, #tpu.memory_space<vmem>>
      %dma_start3A_209 = arith.constant 0 : i32
      %dma_start3A_210 = tpu.memref_slice %arg5[%add3A_203, %dma_start3A_209] : memref<128x128xi32, #tpu.memory_space<vmem>> -> memref<1x128xi32, #tpu.memory_space<vmem>>
      %dma_start3A_211 = tpu.memref_squeeze %dma_start3A_210 : memref<1x128xi32, #tpu.memory_space<vmem>> -> memref<128xi32, #tpu.memory_space<vmem>>
      %dma_start3A_212 = arith.constant 0 : i32
      %dma_start3A_213 = tpu.memref_slice %arg3[%add3A, %dma_start3A_212] : memref<32x1000000xf32, #tpu.memory_space<hbm>> -> memref<1x1000000xf32, #tpu.memory_space<hbm>>
      %dma_start3A_214 = tpu.memref_squeeze %dma_start3A_213 : memref<1x1000000xf32, #tpu.memory_space<hbm>> -> memref<1000000xf32, #tpu.memory_space<hbm>>
      %dma_start3A_215 = arith.constant 0 : i32
      %dma_start3A_216 = tpu.memref_slice %dma_start3A_214[%dma_start3A_215] : memref<1000000xf32, #tpu.memory_space<hbm>> -> memref<1000000xf32, #tpu.memory_space<hbm>>
      tpu.enqueue_indirect_dma source(%dma_start3A_216 : memref<1000000xf32, #tpu.memory_space<hbm>>) target(%dma_start3A_208 : memref<128xf32, #tpu.memory_space<vmem>>) offsets(%dma_start3A_211 : memref<128xi32, #tpu.memory_space<vmem>>) semaphore(%arg7 : memref<!tpu.dma_semaphore, #tpu.memory_space<semaphore_mem>>)
      %add3A_217 = arith.constant 14 : i32
      %add3A_218 = arith.addi %mul3A_7, %add3A_217 : i32
      %add3A_219 = arith.constant 14 : i32
      %add3A_220 = arith.addi %mul3A_7, %add3A_219 : i32
      %dma_start3A_221 = arith.constant 0 : i32
      %dma_start3A_222 = tpu.memref_slice %arg6[%add3A_220, %dma_start3A_221] : memref<128x128xf32, #tpu.memory_space<vmem>> -> memref<1x128xf32, #tpu.memory_space<vmem>>
      %dma_start3A_223 = tpu.memref_squeeze %dma_start3A_222 : memref<1x128xf32, #tpu.memory_space<vmem>> -> memref<128xf32, #tpu.memory_space<vmem>>
      %dma_start3A_224 = arith.constant 0 : i32
      %dma_start3A_225 = tpu.memref_slice %arg5[%add3A_218, %dma_start3A_224] : memref<128x128xi32, #tpu.memory_space<vmem>> -> memref<1x128xi32, #tpu.memory_space<vmem>>
      %dma_start3A_226 = tpu.memref_squeeze %dma_start3A_225 : memref<1x128xi32, #tpu.memory_space<vmem>> -> memref<128xi32, #tpu.memory_space<vmem>>
      %dma_start3A_227 = arith.constant 0 : i32
      %dma_start3A_228 = tpu.memref_slice %arg3[%add3A, %dma_start3A_227] : memref<32x1000000xf32, #tpu.memory_space<hbm>> -> memref<1x1000000xf32, #tpu.memory_space<hbm>>
      %dma_start3A_229 = tpu.memref_squeeze %dma_start3A_228 : memref<1x1000000xf32, #tpu.memory_space<hbm>> -> memref<1000000xf32, #tpu.memory_space<hbm>>
      %dma_start3A_230 = arith.constant 0 : i32
      %dma_start3A_231 = tpu.memref_slice %dma_start3A_229[%dma_start3A_230] : memref<1000000xf32, #tpu.memory_space<hbm>> -> memref<1000000xf32, #tpu.memory_space<hbm>>
      tpu.enqueue_indirect_dma source(%dma_start3A_231 : memref<1000000xf32, #tpu.memory_space<hbm>>) target(%dma_start3A_223 : memref<128xf32, #tpu.memory_space<vmem>>) offsets(%dma_start3A_226 : memref<128xi32, #tpu.memory_space<vmem>>) semaphore(%arg7 : memref<!tpu.dma_semaphore, #tpu.memory_space<semaphore_mem>>)
      %add3A_232 = arith.constant 15 : i32
      %add3A_233 = arith.addi %mul3A_7, %add3A_232 : i32
      %add3A_234 = arith.constant 15 : i32
      %add3A_235 = arith.addi %mul3A_7, %add3A_234 : i32
      %dma_start3A_236 = arith.constant 0 : i32
      %dma_start3A_237 = tpu.memref_slice %arg6[%add3A_235, %dma_start3A_236] : memref<128x128xf32, #tpu.memory_space<vmem>> -> memref<1x128xf32, #tpu.memory_space<vmem>>
      %dma_start3A_238 = tpu.memref_squeeze %dma_start3A_237 : memref<1x128xf32, #tpu.memory_space<vmem>> -> memref<128xf32, #tpu.memory_space<vmem>>
      %dma_start3A_239 = arith.constant 0 : i32
      %dma_start3A_240 = tpu.memref_slice %arg5[%add3A_233, %dma_start3A_239] : memref<128x128xi32, #tpu.memory_space<vmem>> -> memref<1x128xi32, #tpu.memory_space<vmem>>
      %dma_start3A_241 = tpu.memref_squeeze %dma_start3A_240 : memref<1x128xi32, #tpu.memory_space<vmem>> -> memref<128xi32, #tpu.memory_space<vmem>>
      %dma_start3A_242 = arith.constant 0 : i32
      %dma_start3A_243 = tpu.memref_slice %arg3[%add3A, %dma_start3A_242] : memref<32x1000000xf32, #tpu.memory_space<hbm>> -> memref<1x1000000xf32, #tpu.memory_space<hbm>>
      %dma_start3A_244 = tpu.memref_squeeze %dma_start3A_243 : memref<1x1000000xf32, #tpu.memory_space<hbm>> -> memref<1000000xf32, #tpu.memory_space<hbm>>
      %dma_start3A_245 = arith.constant 0 : i32
      %dma_start3A_246 = tpu.memref_slice %dma_start3A_244[%dma_start3A_245] : memref<1000000xf32, #tpu.memory_space<hbm>> -> memref<1000000xf32, #tpu.memory_space<hbm>>
      tpu.enqueue_indirect_dma source(%dma_start3A_246 : memref<1000000xf32, #tpu.memory_space<hbm>>) target(%dma_start3A_238 : memref<128xf32, #tpu.memory_space<vmem>>) offsets(%dma_start3A_241 : memref<128xi32, #tpu.memory_space<vmem>>) semaphore(%arg7 : memref<!tpu.dma_semaphore, #tpu.memory_space<semaphore_mem>>)
      %dma_wait3A = arith.constant 0 : i32
      %dma_wait3A_247 = tpu.memref_slice %arg6[%add3A_11, %dma_wait3A] : memref<128x128xf32, #tpu.memory_space<vmem>> -> memref<1x128xf32, #tpu.memory_space<vmem>>
      %dma_wait3A_248 = tpu.memref_squeeze %dma_wait3A_247 : memref<1x128xf32, #tpu.memory_space<vmem>> -> memref<128xf32, #tpu.memory_space<vmem>>
      %dma_wait3A_249 = arith.constant 0 : i32
      %dma_wait3A_250 = tpu.memref_slice %arg5[%add3A_9, %dma_wait3A_249] : memref<128x128xi32, #tpu.memory_space<vmem>> -> memref<1x128xi32, #tpu.memory_space<vmem>>
      %dma_wait3A_251 = tpu.memref_squeeze %dma_wait3A_250 : memref<1x128xi32, #tpu.memory_space<vmem>> -> memref<128xi32, #tpu.memory_space<vmem>>
      %dma_wait3A_252 = arith.constant 0 : i32
      %dma_wait3A_253 = tpu.memref_slice %arg3[%add3A, %dma_wait3A_252] : memref<32x1000000xf32, #tpu.memory_space<hbm>> -> memref<1x1000000xf32, #tpu.memory_space<hbm>>
      %dma_wait3A_254 = tpu.memref_squeeze %dma_wait3A_253 : memref<1x1000000xf32, #tpu.memory_space<hbm>> -> memref<1000000xf32, #tpu.memory_space<hbm>>
      %dma_wait3A_255 = arith.constant 0 : i32
      %dma_wait3A_256 = tpu.memref_slice %dma_wait3A_254[%dma_wait3A_255] : memref<1000000xf32, #tpu.memory_space<hbm>> -> memref<1000000xf32, #tpu.memory_space<hbm>>
      tpu.wait_indirect_dma semaphore(%arg7 : memref<!tpu.dma_semaphore, #tpu.memory_space<semaphore_mem>>) src(%dma_wait3A_256 : memref<1000000xf32, #tpu.memory_space<hbm>>) dst(%dma_wait3A_248 : memref<128xf32, #tpu.memory_space<vmem>>)
      %dma_wait3A_257 = arith.constant 0 : i32
      %dma_wait3A_258 = tpu.memref_slice %arg6[%add3A_25, %dma_wait3A_257] : memref<128x128xf32, #tpu.memory_space<vmem>> -> memref<1x128xf32, #tpu.memory_space<vmem>>
      %dma_wait3A_259 = tpu.memref_squeeze %dma_wait3A_258 : memref<1x128xf32, #tpu.memory_space<vmem>> -> memref<128xf32, #tpu.memory_space<vmem>>
      %dma_wait3A_260 = arith.constant 0 : i32
      %dma_wait3A_261 = tpu.memref_slice %arg5[%add3A_23, %dma_wait3A_260] : memref<128x128xi32, #tpu.memory_space<vmem>> -> memref<1x128xi32, #tpu.memory_space<vmem>>
      %dma_wait3A_262 = tpu.memref_squeeze %dma_wait3A_261 : memref<1x128xi32, #tpu.memory_space<vmem>> -> memref<128xi32, #tpu.memory_space<vmem>>
      %dma_wait3A_263 = arith.constant 0 : i32
      %dma_wait3A_264 = tpu.memref_slice %arg3[%add3A, %dma_wait3A_263] : memref<32x1000000xf32, #tpu.memory_space<hbm>> -> memref<1x1000000xf32, #tpu.memory_space<hbm>>
      %dma_wait3A_265 = tpu.memref_squeeze %dma_wait3A_264 : memref<1x1000000xf32, #tpu.memory_space<hbm>> -> memref<1000000xf32, #tpu.memory_space<hbm>>
      %dma_wait3A_266 = arith.constant 0 : i32
      %dma_wait3A_267 = tpu.memref_slice %dma_wait3A_265[%dma_wait3A_266] : memref<1000000xf32, #tpu.memory_space<hbm>> -> memref<1000000xf32, #tpu.memory_space<hbm>>
      tpu.wait_indirect_dma semaphore(%arg7 : memref<!tpu.dma_semaphore, #tpu.memory_space<semaphore_mem>>) src(%dma_wait3A_267 : memref<1000000xf32, #tpu.memory_space<hbm>>) dst(%dma_wait3A_259 : memref<128xf32, #tpu.memory_space<vmem>>)
      %dma_wait3A_268 = arith.constant 0 : i32
      %dma_wait3A_269 = tpu.memref_slice %arg6[%add3A_40, %dma_wait3A_268] : memref<128x128xf32, #tpu.memory_space<vmem>> -> memref<1x128xf32, #tpu.memory_space<vmem>>
      %dma_wait3A_270 = tpu.memref_squeeze %dma_wait3A_269 : memref<1x128xf32, #tpu.memory_space<vmem>> -> memref<128xf32, #tpu.memory_space<vmem>>
      %dma_wait3A_271 = arith.constant 0 : i32
      %dma_wait3A_272 = tpu.memref_slice %arg5[%add3A_38, %dma_wait3A_271] : memref<128x128xi32, #tpu.memory_space<vmem>> -> memref<1x128xi32, #tpu.memory_space<vmem>>
      %dma_wait3A_273 = tpu.memref_squeeze %dma_wait3A_272 : memref<1x128xi32, #tpu.memory_space<vmem>> -> memref<128xi32, #tpu.memory_space<vmem>>
      %dma_wait3A_274 = arith.constant 0 : i32
      %dma_wait3A_275 = tpu.memref_slice %arg3[%add3A, %dma_wait3A_274] : memref<32x1000000xf32, #tpu.memory_space<hbm>> -> memref<1x1000000xf32, #tpu.memory_space<hbm>>
      %dma_wait3A_276 = tpu.memref_squeeze %dma_wait3A_275 : memref<1x1000000xf32, #tpu.memory_space<hbm>> -> memref<1000000xf32, #tpu.memory_space<hbm>>
      %dma_wait3A_277 = arith.constant 0 : i32
      %dma_wait3A_278 = tpu.memref_slice %dma_wait3A_276[%dma_wait3A_277] : memref<1000000xf32, #tpu.memory_space<hbm>> -> memref<1000000xf32, #tpu.memory_space<hbm>>
      tpu.wait_indirect_dma semaphore(%arg7 : memref<!tpu.dma_semaphore, #tpu.memory_space<semaphore_mem>>) src(%dma_wait3A_278 : memref<1000000xf32, #tpu.memory_space<hbm>>) dst(%dma_wait3A_270 : memref<128xf32, #tpu.memory_space<vmem>>)
      %dma_wait3A_279 = arith.constant 0 : i32
      %dma_wait3A_280 = tpu.memref_slice %arg6[%add3A_55, %dma_wait3A_279] : memref<128x128xf32, #tpu.memory_space<vmem>> -> memref<1x128xf32, #tpu.memory_space<vmem>>
      %dma_wait3A_281 = tpu.memref_squeeze %dma_wait3A_280 : memref<1x128xf32, #tpu.memory_space<vmem>> -> memref<128xf32, #tpu.memory_space<vmem>>
      %dma_wait3A_282 = arith.constant 0 : i32
      %dma_wait3A_283 = tpu.memref_slice %arg5[%add3A_53, %dma_wait3A_282] : memref<128x128xi32, #tpu.memory_space<vmem>> -> memref<1x128xi32, #tpu.memory_space<vmem>>
      %dma_wait3A_284 = tpu.memref_squeeze %dma_wait3A_283 : memref<1x128xi32, #tpu.memory_space<vmem>> -> memref<128xi32, #tpu.memory_space<vmem>>
      %dma_wait3A_285 = arith.constant 0 : i32
      %dma_wait3A_286 = tpu.memref_slice %arg3[%add3A, %dma_wait3A_285] : memref<32x1000000xf32, #tpu.memory_space<hbm>> -> memref<1x1000000xf32, #tpu.memory_space<hbm>>
      %dma_wait3A_287 = tpu.memref_squeeze %dma_wait3A_286 : memref<1x1000000xf32, #tpu.memory_space<hbm>> -> memref<1000000xf32, #tpu.memory_space<hbm>>
      %dma_wait3A_288 = arith.constant 0 : i32
      %dma_wait3A_289 = tpu.memref_slice %dma_wait3A_287[%dma_wait3A_288] : memref<1000000xf32, #tpu.memory_space<hbm>> -> memref<1000000xf32, #tpu.memory_space<hbm>>
      tpu.wait_indirect_dma semaphore(%arg7 : memref<!tpu.dma_semaphore, #tpu.memory_space<semaphore_mem>>) src(%dma_wait3A_289 : memref<1000000xf32, #tpu.memory_space<hbm>>) dst(%dma_wait3A_281 : memref<128xf32, #tpu.memory_space<vmem>>)
      %dma_wait3A_290 = arith.constant 0 : i32
      %dma_wait3A_291 = tpu.memref_slice %arg6[%add3A_70, %dma_wait3A_290] : memref<128x128xf32, #tpu.memory_space<vmem>> -> memref<1x128xf32, #tpu.memory_space<vmem>>
      %dma_wait3A_292 = tpu.memref_squeeze %dma_wait3A_291 : memref<1x128xf32, #tpu.memory_space<vmem>> -> memref<128xf32, #tpu.memory_space<vmem>>
      %dma_wait3A_293 = arith.constant 0 : i32
      %dma_wait3A_294 = tpu.memref_slice %arg5[%add3A_68, %dma_wait3A_293] : memref<128x128xi32, #tpu.memory_space<vmem>> -> memref<1x128xi32, #tpu.memory_space<vmem>>
      %dma_wait3A_295 = tpu.memref_squeeze %dma_wait3A_294 : memref<1x128xi32, #tpu.memory_space<vmem>> -> memref<128xi32, #tpu.memory_space<vmem>>
      %dma_wait3A_296 = arith.constant 0 : i32
      %dma_wait3A_297 = tpu.memref_slice %arg3[%add3A, %dma_wait3A_296] : memref<32x1000000xf32, #tpu.memory_space<hbm>> -> memref<1x1000000xf32, #tpu.memory_space<hbm>>
      %dma_wait3A_298 = tpu.memref_squeeze %dma_wait3A_297 : memref<1x1000000xf32, #tpu.memory_space<hbm>> -> memref<1000000xf32, #tpu.memory_space<hbm>>
      %dma_wait3A_299 = arith.constant 0 : i32
      %dma_wait3A_300 = tpu.memref_slice %dma_wait3A_298[%dma_wait3A_299] : memref<1000000xf32, #tpu.memory_space<hbm>> -> memref<1000000xf32, #tpu.memory_space<hbm>>
      tpu.wait_indirect_dma semaphore(%arg7 : memref<!tpu.dma_semaphore, #tpu.memory_space<semaphore_mem>>) src(%dma_wait3A_300 : memref<1000000xf32, #tpu.memory_space<hbm>>) dst(%dma_wait3A_292 : memref<128xf32, #tpu.memory_space<vmem>>)
      %dma_wait3A_301 = arith.constant 0 : i32
      %dma_wait3A_302 = tpu.memref_slice %arg6[%add3A_85, %dma_wait3A_301] : memref<128x128xf32, #tpu.memory_space<vmem>> -> memref<1x128xf32, #tpu.memory_space<vmem>>
      %dma_wait3A_303 = tpu.memref_squeeze %dma_wait3A_302 : memref<1x128xf32, #tpu.memory_space<vmem>> -> memref<128xf32, #tpu.memory_space<vmem>>
      %dma_wait3A_304 = arith.constant 0 : i32
      %dma_wait3A_305 = tpu.memref_slice %arg5[%add3A_83, %dma_wait3A_304] : memref<128x128xi32, #tpu.memory_space<vmem>> -> memref<1x128xi32, #tpu.memory_space<vmem>>
      %dma_wait3A_306 = tpu.memref_squeeze %dma_wait3A_305 : memref<1x128xi32, #tpu.memory_space<vmem>> -> memref<128xi32, #tpu.memory_space<vmem>>
      %dma_wait3A_307 = arith.constant 0 : i32
      %dma_wait3A_308 = tpu.memref_slice %arg3[%add3A, %dma_wait3A_307] : memref<32x1000000xf32, #tpu.memory_space<hbm>> -> memref<1x1000000xf32, #tpu.memory_space<hbm>>
      %dma_wait3A_309 = tpu.memref_squeeze %dma_wait3A_308 : memref<1x1000000xf32, #tpu.memory_space<hbm>> -> memref<1000000xf32, #tpu.memory_space<hbm>>
      %dma_wait3A_310 = arith.constant 0 : i32
      %dma_wait3A_311 = tpu.memref_slice %dma_wait3A_309[%dma_wait3A_310] : memref<1000000xf32, #tpu.memory_space<hbm>> -> memref<1000000xf32, #tpu.memory_space<hbm>>
      tpu.wait_indirect_dma semaphore(%arg7 : memref<!tpu.dma_semaphore, #tpu.memory_space<semaphore_mem>>) src(%dma_wait3A_311 : memref<1000000xf32, #tpu.memory_space<hbm>>) dst(%dma_wait3A_303 : memref<128xf32, #tpu.memory_space<vmem>>)
      %dma_wait3A_312 = arith.constant 0 : i32
      %dma_wait3A_313 = tpu.memref_slice %arg6[%add3A_100, %dma_wait3A_312] : memref<128x128xf32, #tpu.memory_space<vmem>> -> memref<1x128xf32, #tpu.memory_space<vmem>>
      %dma_wait3A_314 = tpu.memref_squeeze %dma_wait3A_313 : memref<1x128xf32, #tpu.memory_space<vmem>> -> memref<128xf32, #tpu.memory_space<vmem>>
      %dma_wait3A_315 = arith.constant 0 : i32
      %dma_wait3A_316 = tpu.memref_slice %arg5[%add3A_98, %dma_wait3A_315] : memref<128x128xi32, #tpu.memory_space<vmem>> -> memref<1x128xi32, #tpu.memory_space<vmem>>
      %dma_wait3A_317 = tpu.memref_squeeze %dma_wait3A_316 : memref<1x128xi32, #tpu.memory_space<vmem>> -> memref<128xi32, #tpu.memory_space<vmem>>
      %dma_wait3A_318 = arith.constant 0 : i32
      %dma_wait3A_319 = tpu.memref_slice %arg3[%add3A, %dma_wait3A_318] : memref<32x1000000xf32, #tpu.memory_space<hbm>> -> memref<1x1000000xf32, #tpu.memory_space<hbm>>
      %dma_wait3A_320 = tpu.memref_squeeze %dma_wait3A_319 : memref<1x1000000xf32, #tpu.memory_space<hbm>> -> memref<1000000xf32, #tpu.memory_space<hbm>>
      %dma_wait3A_321 = arith.constant 0 : i32
      %dma_wait3A_322 = tpu.memref_slice %dma_wait3A_320[%dma_wait3A_321] : memref<1000000xf32, #tpu.memory_space<hbm>> -> memref<1000000xf32, #tpu.memory_space<hbm>>
      tpu.wait_indirect_dma semaphore(%arg7 : memref<!tpu.dma_semaphore, #tpu.memory_space<semaphore_mem>>) src(%dma_wait3A_322 : memref<1000000xf32, #tpu.memory_space<hbm>>) dst(%dma_wait3A_314 : memref<128xf32, #tpu.memory_space<vmem>>)
      %dma_wait3A_323 = arith.constant 0 : i32
      %dma_wait3A_324 = tpu.memref_slice %arg6[%add3A_115, %dma_wait3A_323] : memref<128x128xf32, #tpu.memory_space<vmem>> -> memref<1x128xf32, #tpu.memory_space<vmem>>
      %dma_wait3A_325 = tpu.memref_squeeze %dma_wait3A_324 : memref<1x128xf32, #tpu.memory_space<vmem>> -> memref<128xf32, #tpu.memory_space<vmem>>
      %dma_wait3A_326 = arith.constant 0 : i32
      %dma_wait3A_327 = tpu.memref_slice %arg5[%add3A_113, %dma_wait3A_326] : memref<128x128xi32, #tpu.memory_space<vmem>> -> memref<1x128xi32, #tpu.memory_space<vmem>>
      %dma_wait3A_328 = tpu.memref_squeeze %dma_wait3A_327 : memref<1x128xi32, #tpu.memory_space<vmem>> -> memref<128xi32, #tpu.memory_space<vmem>>
      %dma_wait3A_329 = arith.constant 0 : i32
      %dma_wait3A_330 = tpu.memref_slice %arg3[%add3A, %dma_wait3A_329] : memref<32x1000000xf32, #tpu.memory_space<hbm>> -> memref<1x1000000xf32, #tpu.memory_space<hbm>>
      %dma_wait3A_331 = tpu.memref_squeeze %dma_wait3A_330 : memref<1x1000000xf32, #tpu.memory_space<hbm>> -> memref<1000000xf32, #tpu.memory_space<hbm>>
      %dma_wait3A_332 = arith.constant 0 : i32
      %dma_wait3A_333 = tpu.memref_slice %dma_wait3A_331[%dma_wait3A_332] : memref<1000000xf32, #tpu.memory_space<hbm>> -> memref<1000000xf32, #tpu.memory_space<hbm>>
      tpu.wait_indirect_dma semaphore(%arg7 : memref<!tpu.dma_semaphore, #tpu.memory_space<semaphore_mem>>) src(%dma_wait3A_333 : memref<1000000xf32, #tpu.memory_space<hbm>>) dst(%dma_wait3A_325 : memref<128xf32, #tpu.memory_space<vmem>>)
      %dma_wait3A_334 = arith.constant 0 : i32
      %dma_wait3A_335 = tpu.memref_slice %arg6[%add3A_130, %dma_wait3A_334] : memref<128x128xf32, #tpu.memory_space<vmem>> -> memref<1x128xf32, #tpu.memory_space<vmem>>
      %dma_wait3A_336 = tpu.memref_squeeze %dma_wait3A_335 : memref<1x128xf32, #tpu.memory_space<vmem>> -> memref<128xf32, #tpu.memory_space<vmem>>
      %dma_wait3A_337 = arith.constant 0 : i32
      %dma_wait3A_338 = tpu.memref_slice %arg5[%add3A_128, %dma_wait3A_337] : memref<128x128xi32, #tpu.memory_space<vmem>> -> memref<1x128xi32, #tpu.memory_space<vmem>>
      %dma_wait3A_339 = tpu.memref_squeeze %dma_wait3A_338 : memref<1x128xi32, #tpu.memory_space<vmem>> -> memref<128xi32, #tpu.memory_space<vmem>>
      %dma_wait3A_340 = arith.constant 0 : i32
      %dma_wait3A_341 = tpu.memref_slice %arg3[%add3A, %dma_wait3A_340] : memref<32x1000000xf32, #tpu.memory_space<hbm>> -> memref<1x1000000xf32, #tpu.memory_space<hbm>>
      %dma_wait3A_342 = tpu.memref_squeeze %dma_wait3A_341 : memref<1x1000000xf32, #tpu.memory_space<hbm>> -> memref<1000000xf32, #tpu.memory_space<hbm>>
      %dma_wait3A_343 = arith.constant 0 : i32
      %dma_wait3A_344 = tpu.memref_slice %dma_wait3A_342[%dma_wait3A_343] : memref<1000000xf32, #tpu.memory_space<hbm>> -> memref<1000000xf32, #tpu.memory_space<hbm>>
      tpu.wait_indirect_dma semaphore(%arg7 : memref<!tpu.dma_semaphore, #tpu.memory_space<semaphore_mem>>) src(%dma_wait3A_344 : memref<1000000xf32, #tpu.memory_space<hbm>>) dst(%dma_wait3A_336 : memref<128xf32, #tpu.memory_space<vmem>>)
      %dma_wait3A_345 = arith.constant 0 : i32
      %dma_wait3A_346 = tpu.memref_slice %arg6[%add3A_145, %dma_wait3A_345] : memref<128x128xf32, #tpu.memory_space<vmem>> -> memref<1x128xf32, #tpu.memory_space<vmem>>
      %dma_wait3A_347 = tpu.memref_squeeze %dma_wait3A_346 : memref<1x128xf32, #tpu.memory_space<vmem>> -> memref<128xf32, #tpu.memory_space<vmem>>
      %dma_wait3A_348 = arith.constant 0 : i32
      %dma_wait3A_349 = tpu.memref_slice %arg5[%add3A_143, %dma_wait3A_348] : memref<128x128xi32, #tpu.memory_space<vmem>> -> memref<1x128xi32, #tpu.memory_space<vmem>>
      %dma_wait3A_350 = tpu.memref_squeeze %dma_wait3A_349 : memref<1x128xi32, #tpu.memory_space<vmem>> -> memref<128xi32, #tpu.memory_space<vmem>>
      %dma_wait3A_351 = arith.constant 0 : i32
      %dma_wait3A_352 = tpu.memref_slice %arg3[%add3A, %dma_wait3A_351] : memref<32x1000000xf32, #tpu.memory_space<hbm>> -> memref<1x1000000xf32, #tpu.memory_space<hbm>>
      %dma_wait3A_353 = tpu.memref_squeeze %dma_wait3A_352 : memref<1x1000000xf32, #tpu.memory_space<hbm>> -> memref<1000000xf32, #tpu.memory_space<hbm>>
      %dma_wait3A_354 = arith.constant 0 : i32
      %dma_wait3A_355 = tpu.memref_slice %dma_wait3A_353[%dma_wait3A_354] : memref<1000000xf32, #tpu.memory_space<hbm>> -> memref<1000000xf32, #tpu.memory_space<hbm>>
      tpu.wait_indirect_dma semaphore(%arg7 : memref<!tpu.dma_semaphore, #tpu.memory_space<semaphore_mem>>) src(%dma_wait3A_355 : memref<1000000xf32, #tpu.memory_space<hbm>>) dst(%dma_wait3A_347 : memref<128xf32, #tpu.memory_space<vmem>>)
      %dma_wait3A_356 = arith.constant 0 : i32
      %dma_wait3A_357 = tpu.memref_slice %arg6[%add3A_160, %dma_wait3A_356] : memref<128x128xf32, #tpu.memory_space<vmem>> -> memref<1x128xf32, #tpu.memory_space<vmem>>
      %dma_wait3A_358 = tpu.memref_squeeze %dma_wait3A_357 : memref<1x128xf32, #tpu.memory_space<vmem>> -> memref<128xf32, #tpu.memory_space<vmem>>
      %dma_wait3A_359 = arith.constant 0 : i32
      %dma_wait3A_360 = tpu.memref_slice %arg5[%add3A_158, %dma_wait3A_359] : memref<128x128xi32, #tpu.memory_space<vmem>> -> memref<1x128xi32, #tpu.memory_space<vmem>>
      %dma_wait3A_361 = tpu.memref_squeeze %dma_wait3A_360 : memref<1x128xi32, #tpu.memory_space<vmem>> -> memref<128xi32, #tpu.memory_space<vmem>>
      %dma_wait3A_362 = arith.constant 0 : i32
      %dma_wait3A_363 = tpu.memref_slice %arg3[%add3A, %dma_wait3A_362] : memref<32x1000000xf32, #tpu.memory_space<hbm>> -> memref<1x1000000xf32, #tpu.memory_space<hbm>>
      %dma_wait3A_364 = tpu.memref_squeeze %dma_wait3A_363 : memref<1x1000000xf32, #tpu.memory_space<hbm>> -> memref<1000000xf32, #tpu.memory_space<hbm>>
      %dma_wait3A_365 = arith.constant 0 : i32
      %dma_wait3A_366 = tpu.memref_slice %dma_wait3A_364[%dma_wait3A_365] : memref<1000000xf32, #tpu.memory_space<hbm>> -> memref<1000000xf32, #tpu.memory_space<hbm>>
      tpu.wait_indirect_dma semaphore(%arg7 : memref<!tpu.dma_semaphore, #tpu.memory_space<semaphore_mem>>) src(%dma_wait3A_366 : memref<1000000xf32, #tpu.memory_space<hbm>>) dst(%dma_wait3A_358 : memref<128xf32, #tpu.memory_space<vmem>>)
      %dma_wait3A_367 = arith.constant 0 : i32
      %dma_wait3A_368 = tpu.memref_slice %arg6[%add3A_175, %dma_wait3A_367] : memref<128x128xf32, #tpu.memory_space<vmem>> -> memref<1x128xf32, #tpu.memory_space<vmem>>
      %dma_wait3A_369 = tpu.memref_squeeze %dma_wait3A_368 : memref<1x128xf32, #tpu.memory_space<vmem>> -> memref<128xf32, #tpu.memory_space<vmem>>
      %dma_wait3A_370 = arith.constant 0 : i32
      %dma_wait3A_371 = tpu.memref_slice %arg5[%add3A_173, %dma_wait3A_370] : memref<128x128xi32, #tpu.memory_space<vmem>> -> memref<1x128xi32, #tpu.memory_space<vmem>>
      %dma_wait3A_372 = tpu.memref_squeeze %dma_wait3A_371 : memref<1x128xi32, #tpu.memory_space<vmem>> -> memref<128xi32, #tpu.memory_space<vmem>>
      %dma_wait3A_373 = arith.constant 0 : i32
      %dma_wait3A_374 = tpu.memref_slice %arg3[%add3A, %dma_wait3A_373] : memref<32x1000000xf32, #tpu.memory_space<hbm>> -> memref<1x1000000xf32, #tpu.memory_space<hbm>>
      %dma_wait3A_375 = tpu.memref_squeeze %dma_wait3A_374 : memref<1x1000000xf32, #tpu.memory_space<hbm>> -> memref<1000000xf32, #tpu.memory_space<hbm>>
      %dma_wait3A_376 = arith.constant 0 : i32
      %dma_wait3A_377 = tpu.memref_slice %dma_wait3A_375[%dma_wait3A_376] : memref<1000000xf32, #tpu.memory_space<hbm>> -> memref<1000000xf32, #tpu.memory_space<hbm>>
      tpu.wait_indirect_dma semaphore(%arg7 : memref<!tpu.dma_semaphore, #tpu.memory_space<semaphore_mem>>) src(%dma_wait3A_377 : memref<1000000xf32, #tpu.memory_space<hbm>>) dst(%dma_wait3A_369 : memref<128xf32, #tpu.memory_space<vmem>>)
      %dma_wait3A_378 = arith.constant 0 : i32
      %dma_wait3A_379 = tpu.memref_slice %arg6[%add3A_190, %dma_wait3A_378] : memref<128x128xf32, #tpu.memory_space<vmem>> -> memref<1x128xf32, #tpu.memory_space<vmem>>
      %dma_wait3A_380 = tpu.memref_squeeze %dma_wait3A_379 : memref<1x128xf32, #tpu.memory_space<vmem>> -> memref<128xf32, #tpu.memory_space<vmem>>
      %dma_wait3A_381 = arith.constant 0 : i32
      %dma_wait3A_382 = tpu.memref_slice %arg5[%add3A_188, %dma_wait3A_381] : memref<128x128xi32, #tpu.memory_space<vmem>> -> memref<1x128xi32, #tpu.memory_space<vmem>>
      %dma_wait3A_383 = tpu.memref_squeeze %dma_wait3A_382 : memref<1x128xi32, #tpu.memory_space<vmem>> -> memref<128xi32, #tpu.memory_space<vmem>>
      %dma_wait3A_384 = arith.constant 0 : i32
      %dma_wait3A_385 = tpu.memref_slice %arg3[%add3A, %dma_wait3A_384] : memref<32x1000000xf32, #tpu.memory_space<hbm>> -> memref<1x1000000xf32, #tpu.memory_space<hbm>>
      %dma_wait3A_386 = tpu.memref_squeeze %dma_wait3A_385 : memref<1x1000000xf32, #tpu.memory_space<hbm>> -> memref<1000000xf32, #tpu.memory_space<hbm>>
      %dma_wait3A_387 = arith.constant 0 : i32
      %dma_wait3A_388 = tpu.memref_slice %dma_wait3A_386[%dma_wait3A_387] : memref<1000000xf32, #tpu.memory_space<hbm>> -> memref<1000000xf32, #tpu.memory_space<hbm>>
      tpu.wait_indirect_dma semaphore(%arg7 : memref<!tpu.dma_semaphore, #tpu.memory_space<semaphore_mem>>) src(%dma_wait3A_388 : memref<1000000xf32, #tpu.memory_space<hbm>>) dst(%dma_wait3A_380 : memref<128xf32, #tpu.memory_space<vmem>>)
      %dma_wait3A_389 = arith.constant 0 : i32
      %dma_wait3A_390 = tpu.memref_slice %arg6[%add3A_205, %dma_wait3A_389] : memref<128x128xf32, #tpu.memory_space<vmem>> -> memref<1x128xf32, #tpu.memory_space<vmem>>
      %dma_wait3A_391 = tpu.memref_squeeze %dma_wait3A_390 : memref<1x128xf32, #tpu.memory_space<vmem>> -> memref<128xf32, #tpu.memory_space<vmem>>
      %dma_wait3A_392 = arith.constant 0 : i32
      %dma_wait3A_393 = tpu.memref_slice %arg5[%add3A_203, %dma_wait3A_392] : memref<128x128xi32, #tpu.memory_space<vmem>> -> memref<1x128xi32, #tpu.memory_space<vmem>>
      %dma_wait3A_394 = tpu.memref_squeeze %dma_wait3A_393 : memref<1x128xi32, #tpu.memory_space<vmem>> -> memref<128xi32, #tpu.memory_space<vmem>>
      %dma_wait3A_395 = arith.constant 0 : i32
      %dma_wait3A_396 = tpu.memref_slice %arg3[%add3A, %dma_wait3A_395] : memref<32x1000000xf32, #tpu.memory_space<hbm>> -> memref<1x1000000xf32, #tpu.memory_space<hbm>>
      %dma_wait3A_397 = tpu.memref_squeeze %dma_wait3A_396 : memref<1x1000000xf32, #tpu.memory_space<hbm>> -> memref<1000000xf32, #tpu.memory_space<hbm>>
      %dma_wait3A_398 = arith.constant 0 : i32
      %dma_wait3A_399 = tpu.memref_slice %dma_wait3A_397[%dma_wait3A_398] : memref<1000000xf32, #tpu.memory_space<hbm>> -> memref<1000000xf32, #tpu.memory_space<hbm>>
      tpu.wait_indirect_dma semaphore(%arg7 : memref<!tpu.dma_semaphore, #tpu.memory_space<semaphore_mem>>) src(%dma_wait3A_399 : memref<1000000xf32, #tpu.memory_space<hbm>>) dst(%dma_wait3A_391 : memref<128xf32, #tpu.memory_space<vmem>>)
      %dma_wait3A_400 = arith.constant 0 : i32
      %dma_wait3A_401 = tpu.memref_slice %arg6[%add3A_220, %dma_wait3A_400] : memref<128x128xf32, #tpu.memory_space<vmem>> -> memref<1x128xf32, #tpu.memory_space<vmem>>
      %dma_wait3A_402 = tpu.memref_squeeze %dma_wait3A_401 : memref<1x128xf32, #tpu.memory_space<vmem>> -> memref<128xf32, #tpu.memory_space<vmem>>
      %dma_wait3A_403 = arith.constant 0 : i32
      %dma_wait3A_404 = tpu.memref_slice %arg5[%add3A_218, %dma_wait3A_403] : memref<128x128xi32, #tpu.memory_space<vmem>> -> memref<1x128xi32, #tpu.memory_space<vmem>>
      %dma_wait3A_405 = tpu.memref_squeeze %dma_wait3A_404 : memref<1x128xi32, #tpu.memory_space<vmem>> -> memref<128xi32, #tpu.memory_space<vmem>>
      %dma_wait3A_406 = arith.constant 0 : i32
      %dma_wait3A_407 = tpu.memref_slice %arg3[%add3A, %dma_wait3A_406] : memref<32x1000000xf32, #tpu.memory_space<hbm>> -> memref<1x1000000xf32, #tpu.memory_space<hbm>>
      %dma_wait3A_408 = tpu.memref_squeeze %dma_wait3A_407 : memref<1x1000000xf32, #tpu.memory_space<hbm>> -> memref<1000000xf32, #tpu.memory_space<hbm>>
      %dma_wait3A_409 = arith.constant 0 : i32
      %dma_wait3A_410 = tpu.memref_slice %dma_wait3A_408[%dma_wait3A_409] : memref<1000000xf32, #tpu.memory_space<hbm>> -> memref<1000000xf32, #tpu.memory_space<hbm>>
      tpu.wait_indirect_dma semaphore(%arg7 : memref<!tpu.dma_semaphore, #tpu.memory_space<semaphore_mem>>) src(%dma_wait3A_410 : memref<1000000xf32, #tpu.memory_space<hbm>>) dst(%dma_wait3A_402 : memref<128xf32, #tpu.memory_space<vmem>>)
      %dma_wait3A_411 = arith.constant 0 : i32
      %dma_wait3A_412 = tpu.memref_slice %arg6[%add3A_235, %dma_wait3A_411] : memref<128x128xf32, #tpu.memory_space<vmem>> -> memref<1x128xf32, #tpu.memory_space<vmem>>
      %dma_wait3A_413 = tpu.memref_squeeze %dma_wait3A_412 : memref<1x128xf32, #tpu.memory_space<vmem>> -> memref<128xf32, #tpu.memory_space<vmem>>
      %dma_wait3A_414 = arith.constant 0 : i32
      %dma_wait3A_415 = tpu.memref_slice %arg5[%add3A_233, %dma_wait3A_414] : memref<128x128xi32, #tpu.memory_space<vmem>> -> memref<1x128xi32, #tpu.memory_space<vmem>>
      %dma_wait3A_416 = tpu.memref_squeeze %dma_wait3A_415 : memref<1x128xi32, #tpu.memory_space<vmem>> -> memref<128xi32, #tpu.memory_space<vmem>>
      %dma_wait3A_417 = arith.constant 0 : i32
      %dma_wait3A_418 = tpu.memref_slice %arg3[%add3A, %dma_wait3A_417] : memref<32x1000000xf32, #tpu.memory_space<hbm>> -> memref<1x1000000xf32, #tpu.memory_space<hbm>>
      %dma_wait3A_419 = tpu.memref_squeeze %dma_wait3A_418 : memref<1x1000000xf32, #tpu.memory_space<hbm>> -> memref<1000000xf32, #tpu.memory_space<hbm>>
      %dma_wait3A_420 = arith.constant 0 : i32
      %dma_wait3A_421 = tpu.memref_slice %dma_wait3A_419[%dma_wait3A_420] : memref<1000000xf32, #tpu.memory_space<hbm>> -> memref<1000000xf32, #tpu.memory_space<hbm>>
      tpu.wait_indirect_dma semaphore(%arg7 : memref<!tpu.dma_semaphore, #tpu.memory_space<semaphore_mem>>) src(%dma_wait3A_421 : memref<1000000xf32, #tpu.memory_space<hbm>>) dst(%dma_wait3A_413 : memref<128xf32, #tpu.memory_space<vmem>>)
    }
    %scan3A_4 = arith.constant 8 : i32
    "tpu.region"() ({
      %run_scoped3A = tpu.sem_alloc : memref<!tpu.dma_semaphore, #tpu.memory_space<semaphore_mem>>
      %dma_start3A = arith.constant 0 : i32
      %dma_start3A_5 = arith.constant 0 : i32
      %dma_start3A_6 = tpu.memref_slice %arg4[%add3A, %dma_start3A, %dma_start3A_5] : memref<32x128x128xf32, #tpu.memory_space<hbm>> -> memref<1x128x128xf32, #tpu.memory_space<hbm>>
      %dma_start3A_7 = tpu.memref_squeeze %dma_start3A_6 : memref<1x128x128xf32, #tpu.memory_space<hbm>> -> memref<128x128xf32, #tpu.memory_space<hbm>>
      %dma_start3A_8 = arith.constant 0 : i32
      %dma_start3A_9 = arith.constant 0 : i32
      %dma_start3A_10 = tpu.memref_slice %arg4[%add3A, %dma_start3A_8, %dma_start3A_9] : memref<32x128x128xf32, #tpu.memory_space<hbm>> -> memref<1x128x128xf32, #tpu.memory_space<hbm>>
      %dma_start3A_11 = tpu.memref_squeeze %dma_start3A_10 : memref<1x128x128xf32, #tpu.memory_space<hbm>> -> memref<128x128xf32, #tpu.memory_space<hbm>>
      tpu.enqueue_dma source(%arg6 : memref<128x128xf32, #tpu.memory_space<vmem>>) target(%dma_start3A_11 : memref<128x128xf32, #tpu.memory_space<hbm>>) target_semaphore(%run_scoped3A : memref<!tpu.dma_semaphore, #tpu.memory_space<semaphore_mem>>)
      %dma_wait3A = arith.constant 0 : i32
      %dma_wait3A_12 = arith.constant 0 : i32
      %dma_wait3A_13 = tpu.memref_slice %arg4[%add3A, %dma_wait3A, %dma_wait3A_12] : memref<32x128x128xf32, #tpu.memory_space<hbm>> -> memref<1x128x128xf32, #tpu.memory_space<hbm>>
      %dma_wait3A_14 = tpu.memref_squeeze %dma_wait3A_13 : memref<1x128x128xf32, #tpu.memory_space<hbm>> -> memref<128x128xf32, #tpu.memory_space<hbm>>
      %dma_wait3A_15 = arith.constant 0 : i32
      %dma_wait3A_16 = arith.constant 0 : i32
      %dma_wait3A_17 = tpu.memref_slice %arg4[%add3A, %dma_wait3A_15, %dma_wait3A_16] : memref<32x128x128xf32, #tpu.memory_space<hbm>> -> memref<1x128x128xf32, #tpu.memory_space<hbm>>
      %dma_wait3A_18 = tpu.memref_squeeze %dma_wait3A_17 : memref<1x128x128xf32, #tpu.memory_space<hbm>> -> memref<128x128xf32, #tpu.memory_space<hbm>>
      tpu.wait_dma2 semaphore(%run_scoped3A : memref<!tpu.dma_semaphore, #tpu.memory_space<semaphore_mem>>) src(%arg6 : memref<128x128xf32, #tpu.memory_space<vmem>>) dst(%dma_wait3A_18 : memref<128x128xf32, #tpu.memory_space<hbm>>)
      tpu.yield
    }) : () -> ()
    return
  }
}

</mosaic_0001>

<sc_bundles>
// kernel: kernel.3.cloned.1.call-start
scs
__scs_entry_jumppad:
0x0: {  	(pc) =	sbr.rel $0x88, $3  }
0x1: {  	(tag) =	ssettag $0x0;
	lr =	simm.s32 $0x1  }
0x2: {  	[smem:$0x3F9F] =	sst lr;
	_ =	strace $0xD0000000  }
0x3: {  	_ = 	snop  }
0x4: {  	_ = 	snop  }
0x5: {  	_ = 	snop  }
0x6: {  	_ = 	snop  }
0x7: {  	_ = 	snop  }
__scs_overlays_trampoline_lowered:
0x8: {  	[smem:$0x3FAE] =	sst s0  }
0x9: {  	[smem:$0x3FAF] =	sst s1  }
0xa: {  	[smem:$0x3FB0] =	sst s2  }
0xb: {  	[smem:$0x3FB1] =	sst s3  }
0xc: {  	[smem:$0x3FB2] =	sst s4  }
0xd: {  	[smem:$0x3FB3] =	sst s5  }
0xe: {  	[smem:$0x3FB4] =	sst s6  }
0xf: {  	[smem:$0x3FB5] =	sst s7  }
0x10: {  	[smem:$0x3FB6] =	sst s8  }
0x11: {  	[smem:$0x3FB7] =	sst s9;
	s0 =	simm.s32 @!p0 $0x0  }
0x12: {  	s1 =	sld [smem:$0x3F9D];
	s0 =	simm.s32 @p0 $0x1  }
0x13: {  	[smem:$0x3FB8] =	sst s0;
	s0 =	simm.s32 @!p1 $0x0  }
0x14: {  	s2 =	sld [smem:$0x3F9C];
	s0 =	simm.s32 @p1 $0x1  }
0x15: {  	[smem:$0x3FB9] =	sst s0;
	s0 =	simm.s32 @!p2 $0x0  }
0x16: {  	s3 =	sld [smem:$0x3FDB];
	s0 =	simm.s32 @p2 $0x1  }
0x17: {  	s4 =	simm.s32 $0x1BF5;
	[smem:$0x3FBB] =	sst s0  }
0x18: {  	s0 =	sld [smem:$0x3F9E];
	_ =	swait.ge [sflag:s4], $0x0  }
0x19: {  	s7 =	sld [smem:$0x3F9F]  }
0x1a: {  	s8 =	sadd.s32 $0xFFFFE003, lr  }
0x1b: {  	s9 =	sadd.s32 $0xFFFFFEF7, lr;
	s5 =	simm.s32 $0xFFFFFFFF;
	p2 =	slt.u32 s8, $0xFFFFF086  }
0x1c: {  	p1 =	slt.u32 s9, $0xF7A;
	s5 =	simm.s32 @!p2 $0x0  }
0x1d: {  	s5 =	simm.s32 @p1 $0x1;
	p0 =	seq.s32 s7, s2  }
0x1e: {  	s7 =	smul.u32 @!p0 $0xF7A, s2;
	p2 =	seq.s32 @!p0 s5, $0x0  }
0x1f: {  	s9 =	smul.u32 $0xF7A, s1;
	s8 =	simm.s32 @!p0 $0x1BF5;
	p2 =	por !p2, p0  }
0x20: {  	[sflag:s8] =	ssyncset.s32 @!p0 $0xFFFFF086;
	s6 =	sadd.s32 @!p0 s3, s7;
	s7 =	simm.s32 @!p0 $0x108  }
0x21: {  	s3 =	sadd.s32 s3, s9;
	s6 =	sadd.s32 @!p0 $0x88, s6;
	s7 =	simm.s32 @p2 $0x1082  }
0x22: {  	[simem:s7], [sflag:s8] =	dma.local @!p0 [hbm:s6], $0xF7A  }
0x23: {  	s9 =	sor.u32 $0xD0000000, s2;
	s6 =	simm.s32 $0x108;
	_ =	swait.ge @!p0 [sflag:s8], $0x0  }
0x24: {  	s3 =	sadd.s32 $0x88, s3;
	s6 =	simm.s32 @!p1 $0x1082;
	[sflag:s4] =	ssyncset.s32 $0xFFFFF086  }
0x25: {  	[simem:s6], [sflag:s4] =	dma.local [hbm:s3], $0xF7A  }
0x26: {  	[smem:$0x3F9F] =	sst s1;
	(tag) =	ssettag s2;
	_ =	strace s9  }
0x27: {  	s1 =	sld [smem:$0x3FAF]  }
0x28: {  	s2 =	sld [smem:$0x3FB0]  }
0x29: {  	s4 =	sld [smem:$0x3FB2]  }
0x2a: {  	p0 =	seq.s32 s5, $0x0;
	s5 =	sld [smem:$0x3FB3]  }
0x2b: {  	s6 =	sld [smem:$0x3FB4]  }
0x2c: {  	s7 =	sld [smem:$0x3FB5]  }
0x2d: {  	s3 =	simm.s32 $0x108;
	s8 =	sld [smem:$0x3FB6]  }
0x2e: {  	s3 =	simm.s32 @!p0 $0x1082;
	s9 =	sld [smem:$0x3FB7]  }
0x2f: {  	lr =	sadd.s32 s0, s3;
	s0 =	sld [smem:$0x3FAE]  }
0x30: {  	s3 =	sld [smem:$0x3FB1]  }
0x31: {  	[smem:$0x3FBA] =	sst s10  }
0x32: {  	s10 =	sld [smem:$0x3FB8];
	_ =	sdelay $0x3  }
0x33: {  	p0 =	seq.s32 s10, $0x1;
	s10 =	sld [smem:$0x3FBA];
	_ =	sdelay $0x3  }
0x34: {  	[smem:$0x3FBA] =	sst s10  }
0x35: {  	s10 =	sld [smem:$0x3FB9];
	_ =	sdelay $0x3  }
0x36: {  	p1 =	seq.s32 s10, $0x1;
	s10 =	sld [smem:$0x3FBA];
	_ =	sdelay $0x3  }
0x37: {  	[smem:$0x3FBA] =	sst s10  }
0x38: {  	s10 =	sld [smem:$0x3FBB]  }
0x39: {  	_ = 	snop;
	(pc) =	sbr.ind lr, $3  }
0x3a: {  	_ = 	snop  }
0x3b: {  	_ = 	snop  }
0x3c: {  	p2 =	seq.s32 s10, $0x1;
	s10 =	sld [smem:$0x3FBA]  }
0x3d: {  	_ =	shalt  }
0x3e: {  	_ =	shalt  }
0x3f: {  	_ =	shalt  }
0x40: {  	_ =	shalt  }
0x41: {  	_ =	shalt  }
0x42: {  	_ =	shalt  }
0x43: {  	_ =	shalt  }
0x44: {  	_ =	shalt  }
0x45: {  	_ =	shalt  }
0x46: {  	_ =	shalt  }
0x47: {  	_ =	shalt  }
0x48: {  	_ =	shalt  }
0x49: {  	_ =	shalt  }
0x4a: {  	_ =	shalt  }
0x4b: {  	_ =	shalt  }
0x4c: {  	_ =	shalt  }
0x4d: {  	_ =	shalt  }
0x4e: {  	_ =	shalt  }
0x4f: {  	_ =	shalt  }
0x50: {  	_ =	shalt  }
0x51: {  	_ =	shalt  }
0x52: {  	_ =	shalt  }
0x53: {  	_ =	shalt  }
0x54: {  	_ =	shalt  }
0x55: {  	_ =	shalt  }
0x56: {  	_ =	shalt  }
0x57: {  	_ =	shalt  }
0x58: {  	_ =	shalt  }
0x59: {  	_ =	shalt  }
0x5a: {  	_ =	shalt  }
0x5b: {  	_ =	shalt  }
0x5c: {  	_ =	shalt  }
0x5d: {  	_ =	shalt  }
0x5e: {  	_ =	shalt  }
0x5f: {  	_ =	shalt  }
0x60: {  	_ =	shalt  }
0x61: {  	_ =	shalt  }
0x62: {  	_ =	shalt  }
0x63: {  	_ =	shalt  }
0x64: {  	_ =	shalt  }
0x65: {  	_ =	shalt  }
0x66: {  	_ =	shalt  }
0x67: {  	_ =	shalt  }
0x68: {  	_ =	shalt  }
0x69: {  	_ =	shalt  }
0x6a: {  	_ =	shalt  }
0x6b: {  	_ =	shalt  }
0x6c: {  	_ =	shalt  }
0x6d: {  	_ =	shalt  }
0x6e: {  	_ =	shalt  }
0x6f: {  	_ =	shalt  }
0x70: {  	_ =	shalt  }
0x71: {  	_ =	shalt  }
0x72: {  	_ =	shalt  }
0x73: {  	_ =	shalt  }
0x74: {  	_ =	shalt  }
0x75: {  	_ =	shalt  }
0x76: {  	_ =	shalt  }
0x77: {  	_ =	shalt  }
0x78: {  	_ =	shalt  }
0x79: {  	_ =	shalt  }
0x7a: {  	_ =	shalt  }
0x7b: {  	_ =	shalt  }
0x7c: {  	_ =	shalt  }
0x7d: {  	_ =	shalt  }
0x7e: {  	_ =	shalt  }
0x7f: {  	_ =	shalt  }
0x80: {  	_ =	shalt  }
0x81: {  	_ =	shalt  }
0x82: {  	_ =	shalt  }
0x83: {  	_ =	shalt  }
0x84: {  	_ =	shalt  }
0x85: {  	_ =	shalt  }
0x86: {  	_ =	shalt  }
0x87: {  	_ =	shalt  }
.Lfunc_end0:
.L_simem_size_0:
called_computation_lowered:
.L_overlay_start_0:
0x88: {  	s2 =	sld [smem:$0x3FD9]  }
0x89: {  	s3 =	sld [smem:$0x3FFE];
	_ =	sdelay $0x1  }
0x8a: {  	s1 =	srdreg.scid  }
0x8b: {  	s0 =	sand.u32 $0x1, s1  }
0x8c: {  	s17 =	sshll.u32 s0, $0xA;
	s2 =	sadd.s32 s3, s2  }
0x8d: {  	s2 =	sadd.s32 s2, s17  }
0x8e: {  	[smem:$0x3FC6] =	sst s2  }
0x8f: {  	_ = 	snop  }
0x90: {  	s2 =	sld [smem:$0x3FC9];
	(tm) =	ssettm $0x1  }
0x91: {  	s18 =	sld [smem:$0x3FFB];
	_ =	sdelay $0x3  }
0x92: {  	_ =	strace s18  }
0x93: {  	s3 =	sld [smem:$0x3FFC];
	_ =	sdelay $0x3  }
0x94: {  	_ =	strace s3  }
0x95: {  	s3 =	sld [smem:$0x3FFD];
	_ =	sdelay $0x3  }
0x96: {  	_ =	strace s3  }
0x97: {  	_ =	strace $0x8FFFFFFF  }
0x98: {  	s19 =	sld [smem:$0x3FDB];
	_ =	sdelay $0x1  }
0x99: {  	s4 =	simm.s32 $_scs_section_size  }
0x9a: {  	s5 =	simm.s32 $_size__tile_overlayer_lowered;
	s6 =	simm.s32 $_tile_overlayer_lowered  }
0x9b: {  	s22 =	simm.s32 $0x1BFF;
	s21 =	sshll.u32 s6, $0x1;
	s3 =	sadd.s32 s4, s19  }
0x9c: {  	s7 =	simm.s32 $0x0;
	s20 =	sshll.u32 s5, $0x1;
	s5 =	sadd.s32 s21, s3  }
0x9d: {  	[timem:s7], [sflag:s22] =	dma.local [hbm:s5], s20  }
0x9e: {  	_ =	swait.ge [sflag:s22], s20  }
0x9f: {  	s4 =	ssub.s32 $0x0, s20;
	[sflag:s22] =	ssyncset.done $0x0  }
0xa0: {  	[sflag:s22] =	ssyncadd.s32 s4;
	_ =	sdelay $0x1  }
0xa1: {  	s23 =	simm.s32 $0x1B8B  }
0xa2: {  	_ =	swait.ge [sflag:s23], $0x1  }
0xa3: {  	[sflag:s23] =	ssyncset.done $0x0  }
0xa4: {  	s25 =	simm.s32 $0x1B8E;
	s24 =	sld [smem:$0x3FFE];
	[sflag:s23] =	ssyncadd.s32 $0xFFFFFFFF  }
0xa5: {  	s26 =	simm.s32 $execute0_lowered;
	[smem:$0x3FD2] =	sst s25  }
0xa6: {  	s5 =	sshll.u32 s26, $0x1;
	_ =	strace $0x80000046;
	[dreg:$0x1] =	wrdreg $0xFFFFFFFF  }
0xa7: {  	s28 =	simm.s32 $_size_execute0_lowered;
	s3 =	sadd.s32 s3, s5;
	[dreg:$0x0] =	wrdreg $0x0  }
0xa8: {  	s5 =	sshll.u32 s28, $0x1;
	[dreg:$0x2] =	wrdreg s3  }
0xa9: {  	[dreg:$0x3] =	wrdreg s5  }
0xaa: {  	[dreg:$0x4] =	wrdreg $0xC0  }
0xab: {  	_ =	task [dreg:s7], $0x5FFFF  }
0xac: {  	[dreg:$0x1] =	wrdreg $0xFFFFFFFF  }
0xad: {  	[dreg:$0x0] =	wrdreg $0x60  }
0xae: {  	[dreg:$0x2] =	wrdreg s2  }
0xaf: {  	[dreg:$0x3] =	wrdreg s24  }
0xb0: {  	[dreg:$0x4] =	wrdreg $0x9  }
0xb1: {  	_ =	task.clear_ibuf [dreg:s7], $0x5FFFF;
	_ =	strace $0x90000046  }
0xb2: {  	s29 =	simm.s32 $0x9;
	_ =	strace $0x80000048  }
0xb3: {  	_ =	swait.ge [sflag:s29], $0x1  }
0xb4: {  	[sflag:s29] =	ssyncadd.s32 $0xFFFFFFFF  }
0xb5: {  	_ =	strace $0x90000048  }
0xb6: {  	_ =	sfence  }
0xb7: {  	s30 =	sld [smem:$0x0];
	_ =	sdelay $0x2  }
0xb8: {  	s31 =	sshll.u32 s1, $0xD;
	s1 =	sshrl.u32 s1, $0x2  }
0xb9: {  	s3 =	sand.u32 $0x4000, s31;
	s1 =	sadd.s32 s1, s30  }
0xba: {  	s0 =	sor.u32 s3, s0;
	s1 =	sshll.u32 s1, $0x11  }
0xbb: {  	s0 =	sor.u32 s1, s0  }
0xbc: {  	s0 =	sadd.s32 $0x8F2B, s0  }
0xbd: {  	[sflag:s0] =	ssyncadd.remote.s32 $0x1  }
0xbe: {  	_ =	sfence.sel $0xFFFF  }
0xbf: {  	[dreg:$0x0] =	wrdreg $0xFFFFFFFF;
	(pc) =	sbr.abs _section_cstart, $3  }
0xc0: {  	[dreg:$0x1] =	wrdreg $0xFFFFFFFF  }
0xc1: {  	_ =	task.clear_ibuf [dreg:s7], $0x2FFFF;
	_ =	strace $0x9FFFFFFF  }
0xc2: {  	(tm) =	ssettm $0x7FFFFFFF  }
0xc3: {  	_ =	shalt  }
tec
execute0_lowered:
.L_overlay_start_1:
0x0: {  	(tag) =	ssettag $0x1  }
0x1: {  	s2 =	rddreg [dreg:$0x0];
	s1 =	srdreg.scid  }
0x2: {  	s0 =	stileid.u32;
	s4 =	rddreg [dreg:$0x1];
	s3 =	simm.s32 $0x0  }
0x3: {  	s9 =	simm.s32 $0x1;
	s10 =	simm.s32 $0x4000;
	s11 =	simm.s32 $0x0  }
0x4: {  	s5 =	sand.u32 $0x1, s1;
	s6 =	sshll.u32 s0, $0x1;
	s1 =	rddreg [dreg:$0x2]  }
0x5: {  	[smem:$0x7FF] =	sst s3;
	s6 =	sor.u32 s5, s6;
	s5 =	ssub.s32 $0x2, s5  }
0x6: {  	s7 =	smul.u32 $0x1E848, s6;
	s6 =	sshll.u32 s6, $0xB;
	s31 =	sshrl.u32 s5, $0x1  }
0x7: {  	_ =	strace $0x80000047;
	s6 =	sadd.s32 s6, s4;
	s8 =	ssub.s32 s5, s31  }
0x8: {  	s7 =	sadd.s32 s7, s4;
	s5 =	sadd.s32 $0x3D0C00, s6;
	s6 =	smax.u32 s8, $0x1  }
0x9: {  	s8 =	simm.s32 $0x80;
	s4 =	sadd.s32 $0x200, s7;
	s7 =	simm.s32 $0x2  }
.LBB2_1:
0xa: {  	[tilespmem:s3], [sflag:$0x2] =	stream.linear.gather [hbm4b:s2+s3], $0x4000, $0x38;
	[tilespmem:$0x8000] =	vst v63  }
0xb: {  	_ =	swait.ge [sflag:s7], $0x4000  }
0xc: {  	[sflag:s7] =	ssyncset.done $0x0  }
0xd: {  	s12 =	simm.s32 $0x0;
	s13 =	simm.s32 $0x4000;
	[sflag:s7] =	ssyncadd.s32 $0xFFFFC000  }
0xe: {  	[tilespmem:s13], [sflag:$0x1] =	stream.indirect.gather [hbm4b:s4+s8], $0x1, s12, s8, $0xb8;
	[tilespmem:$0x8000] =	vst v63  }
0xf: {  	s19 =	simm.s32 $0x4080;
	s20 =	simm.s32 $0x80  }
0x10: {  	[tilespmem:s19], [sflag:$0x1] =	stream.indirect.gather [hbm4b:s4+s8], $0x1, s20, s8, $0xb8;
	[tilespmem:$0x8000] =	vst v63  }
0x11: {  	s21 =	simm.s32 $0x4100;
	s22 =	simm.s32 $0x100  }
0x12: {  	[tilespmem:s21], [sflag:$0x1] =	stream.indirect.gather [hbm4b:s4+s8], $0x1, s22, s8, $0xb8;
	[tilespmem:$0x8000] =	vst v63  }
0x13: {  	s23 =	simm.s32 $0x4180;
	s24 =	simm.s32 $0x180  }
0x14: {  	[tilespmem:s23], [sflag:$0x1] =	stream.indirect.gather [hbm4b:s4+s8], $0x1, s24, s8, $0xb8;
	[tilespmem:$0x8000] =	vst v63  }
0x15: {  	s25 =	simm.s32 $0x4200;
	s26 =	simm.s32 $0x200  }
0x16: {  	[tilespmem:s25], [sflag:$0x1] =	stream.indirect.gather [hbm4b:s4+s8], $0x1, s26, s8, $0xb8;
	[tilespmem:$0x8000] =	vst v63  }
0x17: {  	s28 =	simm.s32 $0x4280;
	s29 =	simm.s32 $0x280  }
0x18: {  	[tilespmem:s28], [sflag:$0x1] =	stream.indirect.gather [hbm4b:s4+s8], $0x1, s29, s8, $0xb8;
	[tilespmem:$0x8000] =	vst v63  }
0x19: {  	s30 =	simm.s32 $0x4300;
	s31 =	simm.s32 $0x300  }
0x1a: {  	[tilespmem:s30], [sflag:$0x1] =	stream.indirect.gather [hbm4b:s4+s8], $0x1, s31, s8, $0xb8;
	[tilespmem:$0x8000] =	vst v63  }
0x1b: {  	s14 =	simm.s32 $0x380;
	s13 =	simm.s32 $0x4380  }
0x1c: {  	[tilespmem:s13], [sflag:$0x1] =	stream.indirect.gather [hbm4b:s4+s8], $0x1, s14, s8, $0xb8;
	[tilespmem:$0x8000] =	vst v63  }
0x1d: {  	s15 =	simm.s32 $0x4400;
	s16 =	simm.s32 $0x400  }
0x1e: {  	[tilespmem:s15], [sflag:$0x1] =	stream.indirect.gather [hbm4b:s4+s8], $0x1, s16, s8, $0xb8;
	[tilespmem:$0x8000] =	vst v63  }
0x1f: {  	s17 =	simm.s32 $0x4480;
	s18 =	simm.s32 $0x480  }
0x20: {  	[tilespmem:s17], [sflag:$0x1] =	stream.indirect.gather [hbm4b:s4+s8], $0x1, s18, s8, $0xb8;
	[tilespmem:$0x8000] =	vst v63  }
0x21: {  	s19 =	simm.s32 $0x4500;
	s20 =	simm.s32 $0x500  }
0x22: {  	[tilespmem:s19], [sflag:$0x1] =	stream.indirect.gather [hbm4b:s4+s8], $0x1, s20, s8, $0xb8;
	[tilespmem:$0x8000] =	vst v63  }
0x23: {  	s21 =	simm.s32 $0x4580;
	s22 =	simm.s32 $0x580  }
0x24: {  	[tilespmem:s21], [sflag:$0x1] =	stream.indirect.gather [hbm4b:s4+s8], $0x1, s22, s8, $0xb8;
	[tilespmem:$0x8000] =	vst v63  }
0x25: {  	s23 =	simm.s32 $0x4600;
	s24 =	simm.s32 $0x600  }
0x26: {  	[tilespmem:s23], [sflag:$0x1] =	stream.indirect.gather [hbm4b:s4+s8], $0x1, s24, s8, $0xb8;
	[tilespmem:$0x8000] =	vst v63  }
0x27: {  	s25 =	simm.s32 $0x4680;
	s26 =	simm.s32 $0x680  }
0x28: {  	[tilespmem:s25], [sflag:$0x1] =	stream.indirect.gather [hbm4b:s4+s8], $0x1, s26, s8, $0xb8;
	[tilespmem:$0x8000] =	vst v63  }
0x29: {  	s28 =	simm.s32 $0x4700;
	s29 =	simm.s32 $0x700  }
0x2a: {  	[tilespmem:s28], [sflag:$0x1] =	stream.indirect.gather [hbm4b:s4+s8], $0x1, s29, s8, $0xb8;
	[tilespmem:$0x8000] =	vst v63  }
0x2b: {  	s30 =	simm.s32 $0x4780;
	s31 =	simm.s32 $0x780  }
0x2c: {  	[tilespmem:s30], [sflag:$0x1] =	stream.indirect.gather [hbm4b:s4+s8], $0x1, s31, s8, $0xb8;
	[tilespmem:$0x8000] =	vst v63  }
0x2d: {  	_ =	swait.ge [sflag:s9], $0x80  }
0x2e: {  	[sflag:s9] =	ssyncset.done $0x0  }
0x2f: {  	[sflag:s9] =	ssyncadd.s32 $0xFFFFFF80  }
0x30: {  	_ =	swait.ge [sflag:s9], $0x80  }
0x31: {  	[sflag:s9] =	ssyncset.done $0x0  }
0x32: {  	[sflag:s9] =	ssyncadd.s32 $0xFFFFFF80  }
0x33: {  	_ =	swait.ge [sflag:s9], $0x80  }
0x34: {  	[sflag:s9] =	ssyncset.done $0x0  }
0x35: {  	[sflag:s9] =	ssyncadd.s32 $0xFFFFFF80  }
0x36: {  	_ =	swait.ge [sflag:s9], $0x80  }
0x37: {  	[sflag:s9] =	ssyncset.done $0x0  }
0x38: {  	[sflag:s9] =	ssyncadd.s32 $0xFFFFFF80  }
0x39: {  	_ =	swait.ge [sflag:s9], $0x80  }
0x3a: {  	[sflag:s9] =	ssyncset.done $0x0  }
0x3b: {  	[sflag:s9] =	ssyncadd.s32 $0xFFFFFF80  }
0x3c: {  	_ =	swait.ge [sflag:s9], $0x80  }
0x3d: {  	[sflag:s9] =	ssyncset.done $0x0  }
0x3e: {  	[sflag:s9] =	ssyncadd.s32 $0xFFFFFF80  }
0x3f: {  	_ =	swait.ge [sflag:s9], $0x80  }
0x40: {  	[sflag:s9] =	ssyncset.done $0x0  }
0x41: {  	[sflag:s9] =	ssyncadd.s32 $0xFFFFFF80  }
0x42: {  	_ =	swait.ge [sflag:s9], $0x80  }
0x43: {  	[sflag:s9] =	ssyncset.done $0x0  }
0x44: {  	[sflag:s9] =	ssyncadd.s32 $0xFFFFFF80  }
0x45: {  	_ =	swait.ge [sflag:s9], $0x80  }
0x46: {  	[sflag:s9] =	ssyncset.done $0x0  }
0x47: {  	[sflag:s9] =	ssyncadd.s32 $0xFFFFFF80  }
0x48: {  	_ =	swait.ge [sflag:s9], $0x80  }
0x49: {  	[sflag:s9] =	ssyncset.done $0x0  }
0x4a: {  	[sflag:s9] =	ssyncadd.s32 $0xFFFFFF80  }
0x4b: {  	_ =	swait.ge [sflag:s9], $0x80  }
0x4c: {  	[sflag:s9] =	ssyncset.done $0x0  }
0x4d: {  	[sflag:s9] =	ssyncadd.s32 $0xFFFFFF80  }
0x4e: {  	_ =	swait.ge [sflag:s9], $0x80  }
0x4f: {  	[sflag:s9] =	ssyncset.done $0x0  }
0x50: {  	[sflag:s9] =	ssyncadd.s32 $0xFFFFFF80  }
0x51: {  	_ =	swait.ge [sflag:s9], $0x80  }
0x52: {  	[sflag:s9] =	ssyncset.done $0x0  }
0x53: {  	[sflag:s9] =	ssyncadd.s32 $0xFFFFFF80  }
0x54: {  	_ =	swait.ge [sflag:s9], $0x80  }
0x55: {  	[sflag:s9] =	ssyncset.done $0x0  }
0x56: {  	[sflag:s9] =	ssyncadd.s32 $0xFFFFFF80  }
0x57: {  	_ =	swait.ge [sflag:s9], $0x80  }
0x58: {  	[sflag:s9] =	ssyncset.done $0x0  }
0x59: {  	[sflag:s9] =	ssyncadd.s32 $0xFFFFFF80  }
0x5a: {  	_ =	swait.ge [sflag:s9], $0x80  }
0x5b: {  	s14 =	simm.s32 $0x800;
	s15 =	simm.s32 $0x4000;
	[sflag:s9] =	ssyncset.done $0x0  }
.LBB2_2:
0x5c: {  	s16 =	sadd.s32 $0x4000, s14  }
0x5d: {  	[sflag:s9] =	ssyncadd.s32 $0xFFFFFF80;
	s13 =	smov.u32 s15;
	s12 =	sadd.s32 $0x2000, s15  }
0x5e: {  	[tilespmem:s16], [sflag:$0x1] =	stream.indirect.gather [hbm4b:s4+s8], $0x1, s14, s8, $0xb8;
	[tilespmem:$0x8000] =	vst v63  }
0x5f: {  	p0 =	sne.s32 s15, $0xE000;
	s15 =	sadd.s32 $0x4080, s14;
	s16 =	sadd.s32 $0x80, s14  }
0x60: {  	[tilespmem:s15], [sflag:$0x1] =	stream.indirect.gather [hbm4b:s4+s8], $0x1, s16, s8, $0xb8;
	[tilespmem:$0x8000] =	vst v63  }
0x61: {  	s15 =	sadd.s32 $0x4100, s14;
	s16 =	sadd.s32 $0x100, s14  }
0x62: {  	[tilespmem:s15], [sflag:$0x1] =	stream.indirect.gather [hbm4b:s4+s8], $0x1, s16, s8, $0xb8;
	[tilespmem:$0x8000] =	vst v63  }
0x63: {  	s15 =	sadd.s32 $0x4180, s14;
	s16 =	sadd.s32 $0x180, s14  }
0x64: {  	[tilespmem:s15], [sflag:$0x1] =	stream.indirect.gather [hbm4b:s4+s8], $0x1, s16, s8, $0xb8;
	[tilespmem:$0x8000] =	vst v63  }
0x65: {  	s15 =	sadd.s32 $0x4200, s14;
	s16 =	sadd.s32 $0x200, s14  }
0x66: {  	[tilespmem:s15], [sflag:$0x1] =	stream.indirect.gather [hbm4b:s4+s8], $0x1, s16, s8, $0xb8;
	[tilespmem:$0x8000] =	vst v63  }
0x67: {  	s15 =	sadd.s32 $0x4280, s14;
	s16 =	sadd.s32 $0x280, s14  }
0x68: {  	[tilespmem:s15], [sflag:$0x1] =	stream.indirect.gather [hbm4b:s4+s8], $0x1, s16, s8, $0xb8;
	[tilespmem:$0x8000] =	vst v63  }
0x69: {  	s15 =	sadd.s32 $0x4300, s14;
	s16 =	sadd.s32 $0x300, s14  }
0x6a: {  	[tilespmem:s15], [sflag:$0x1] =	stream.indirect.gather [hbm4b:s4+s8], $0x1, s16, s8, $0xb8;
	[tilespmem:$0x8000] =	vst v63  }
0x6b: {  	s15 =	sadd.s32 $0x4380, s14;
	s16 =	sadd.s32 $0x380, s14  }
0x6c: {  	[tilespmem:s15], [sflag:$0x1] =	stream.indirect.gather [hbm4b:s4+s8], $0x1, s16, s8, $0xb8;
	[tilespmem:$0x8000] =	vst v63  }
0x6d: {  	s15 =	sadd.s32 $0x4400, s14;
	s16 =	sadd.s32 $0x400, s14  }
0x6e: {  	[tilespmem:s15], [sflag:$0x1] =	stream.indirect.gather [hbm4b:s4+s8], $0x1, s16, s8, $0xb8;
	[tilespmem:$0x8000] =	vst v63  }
0x6f: {  	s15 =	sadd.s32 $0x4480, s14;
	s16 =	sadd.s32 $0x480, s14  }
0x70: {  	[tilespmem:s15], [sflag:$0x1] =	stream.indirect.gather [hbm4b:s4+s8], $0x1, s16, s8, $0xb8;
	[tilespmem:$0x8000] =	vst v63  }
0x71: {  	s15 =	sadd.s32 $0x4500, s14;
	s16 =	sadd.s32 $0x500, s14  }
0x72: {  	[tilespmem:s15], [sflag:$0x1] =	stream.indirect.gather [hbm4b:s4+s8], $0x1, s16, s8, $0xb8;
	[tilespmem:$0x8000] =	vst v63  }
0x73: {  	s15 =	sadd.s32 $0x4580, s14;
	s16 =	sadd.s32 $0x580, s14  }
0x74: {  	[tilespmem:s15], [sflag:$0x1] =	stream.indirect.gather [hbm4b:s4+s8], $0x1, s16, s8, $0xb8;
	[tilespmem:$0x8000] =	vst v63  }
0x75: {  	s15 =	sadd.s32 $0x4600, s14;
	s16 =	sadd.s32 $0x600, s14  }
0x76: {  	[tilespmem:s15], [sflag:$0x1] =	stream.indirect.gather [hbm4b:s4+s8], $0x1, s16, s8, $0xb8;
	[tilespmem:$0x8000] =	vst v63  }
0x77: {  	s15 =	sadd.s32 $0x4680, s14;
	s16 =	sadd.s32 $0x680, s14  }
0x78: {  	[tilespmem:s15], [sflag:$0x1] =	stream.indirect.gather [hbm4b:s4+s8], $0x1, s16, s8, $0xb8;
	[tilespmem:$0x8000] =	vst v63  }
0x79: {  	s15 =	sadd.s32 $0x4700, s14;
	s16 =	sadd.s32 $0x700, s14  }
0x7a: {  	[tilespmem:s15], [sflag:$0x1] =	stream.indirect.gather [hbm4b:s4+s8], $0x1, s16, s8, $0xb8;
	[tilespmem:$0x8000] =	vst v63  }
0x7b: {  	s15 =	sadd.s32 $0x4780, s14;
	s14 =	sadd.s32 $0x780, s14  }
0x7c: {  	[tilespmem:s15], [sflag:$0x1] =	stream.indirect.gather [hbm4b:s4+s8], $0x1, s14, s8, $0xb8;
	[tilespmem:$0x8000] =	vst v63  }
0x7d: {  	_ =	swait.ge [sflag:s9], $0x80  }
0x7e: {  	[sflag:s9] =	ssyncset.done $0x0  }
0x7f: {  	[sflag:s9] =	ssyncadd.s32 $0xFFFFFF80  }
0x80: {  	_ =	swait.ge [sflag:s9], $0x80  }
0x81: {  	[sflag:s9] =	ssyncset.done $0x0  }
0x82: {  	[sflag:s9] =	ssyncadd.s32 $0xFFFFFF80  }
0x83: {  	_ =	swait.ge [sflag:s9], $0x80  }
0x84: {  	[sflag:s9] =	ssyncset.done $0x0  }
0x85: {  	[sflag:s9] =	ssyncadd.s32 $0xFFFFFF80  }
0x86: {  	_ =	swait.ge [sflag:s9], $0x80  }
0x87: {  	[sflag:s9] =	ssyncset.done $0x0  }
0x88: {  	[sflag:s9] =	ssyncadd.s32 $0xFFFFFF80  }
0x89: {  	_ =	swait.ge [sflag:s9], $0x80  }
0x8a: {  	[sflag:s9] =	ssyncset.done $0x0  }
0x8b: {  	[sflag:s9] =	ssyncadd.s32 $0xFFFFFF80  }
0x8c: {  	_ =	swait.ge [sflag:s9], $0x80  }
0x8d: {  	[sflag:s9] =	ssyncset.done $0x0  }
0x8e: {  	[sflag:s9] =	ssyncadd.s32 $0xFFFFFF80  }
0x8f: {  	_ =	swait.ge [sflag:s9], $0x80  }
0x90: {  	[sflag:s9] =	ssyncset.done $0x0  }
0x91: {  	[sflag:s9] =	ssyncadd.s32 $0xFFFFFF80  }
0x92: {  	_ =	swait.ge [sflag:s9], $0x80  }
0x93: {  	[sflag:s9] =	ssyncset.done $0x0  }
0x94: {  	[sflag:s9] =	ssyncadd.s32 $0xFFFFFF80  }
0x95: {  	_ =	swait.ge [sflag:s9], $0x80  }
0x96: {  	[sflag:s9] =	ssyncset.done $0x0  }
0x97: {  	[sflag:s9] =	ssyncadd.s32 $0xFFFFFF80  }
0x98: {  	_ =	swait.ge [sflag:s9], $0x80  }
0x99: {  	[sflag:s9] =	ssyncset.done $0x0  }
0x9a: {  	[sflag:s9] =	ssyncadd.s32 $0xFFFFFF80  }
0x9b: {  	_ =	swait.ge [sflag:s9], $0x80  }
0x9c: {  	[sflag:s9] =	ssyncset.done $0x0  }
0x9d: {  	[sflag:s9] =	ssyncadd.s32 $0xFFFFFF80  }
0x9e: {  	_ =	swait.ge [sflag:s9], $0x80  }
0x9f: {  	[sflag:s9] =	ssyncset.done $0x0  }
0xa0: {  	[sflag:s9] =	ssyncadd.s32 $0xFFFFFF80  }
0xa1: {  	_ =	swait.ge [sflag:s9], $0x80  }
0xa2: {  	[sflag:s9] =	ssyncset.done $0x0  }
0xa3: {  	[sflag:s9] =	ssyncadd.s32 $0xFFFFFF80  }
0xa4: {  	_ =	swait.ge [sflag:s9], $0x80  }
0xa5: {  	[sflag:s9] =	ssyncset.done $0x0  }
0xa6: {  	[sflag:s9] =	ssyncadd.s32 $0xFFFFFF80  }
.Ltmp0:
0xa7: {  	_ =	swait.ge [sflag:s9], $0x80;
	(pc) =	sbr.rel @p0 .LBB2_2-.Ltmp0, $4  }
0xa8: {  	[sflag:s9] =	ssyncset.done $0x0  }
0xa9: {  	[sflag:s9] =	ssyncadd.s32 $0xFFFFFF80  }
0xaa: {  	_ =	swait.ge [sflag:s9], $0x80  }
0xab: {  	s14 =	sshra.s32 s13, $0x2;
	s15 =	smov.u32 s12;
	[sflag:s9] =	ssyncset.done $0x0  }
0xac: {  	s12 =	sadd.s32 $0x4000, s14;
	[sflag:s9] =	ssyncadd.s32 $0xFFFFFF80  }
0xad: {  	[tilespmem:s12], [sflag:$0x1] =	stream.indirect.gather [hbm4b:s4+s8], $0x1, s14, s8, $0xb8;
	[tilespmem:$0x8000] =	vst v63  }
0xae: {  	s18 =	sadd.s32 $0x4080, s14;
	s13 =	sadd.s32 $0x80, s14  }
0xaf: {  	[tilespmem:s18], [sflag:$0x1] =	stream.indirect.gather [hbm4b:s4+s8], $0x1, s13, s8, $0xb8;
	[tilespmem:$0x8000] =	vst v63  }
0xb0: {  	s19 =	sadd.s32 $0x4100, s14;
	s20 =	sadd.s32 $0x100, s14  }
0xb1: {  	[tilespmem:s19], [sflag:$0x1] =	stream.indirect.gather [hbm4b:s4+s8], $0x1, s20, s8, $0xb8;
	[tilespmem:$0x8000] =	vst v63  }
0xb2: {  	s21 =	sadd.s32 $0x4180, s14;
	s22 =	sadd.s32 $0x180, s14  }
0xb3: {  	[tilespmem:s21], [sflag:$0x1] =	stream.indirect.gather [hbm4b:s4+s8], $0x1, s22, s8, $0xb8;
	[tilespmem:$0x8000] =	vst v63  }
0xb4: {  	s23 =	sadd.s32 $0x4200, s14;
	s24 =	sadd.s32 $0x200, s14  }
0xb5: {  	[tilespmem:s23], [sflag:$0x1] =	stream.indirect.gather [hbm4b:s4+s8], $0x1, s24, s8, $0xb8;
	[tilespmem:$0x8000] =	vst v63  }
0xb6: {  	s25 =	sadd.s32 $0x4280, s14;
	s26 =	sadd.s32 $0x280, s14  }
0xb7: {  	[tilespmem:s25], [sflag:$0x1] =	stream.indirect.gather [hbm4b:s4+s8], $0x1, s26, s8, $0xb8;
	[tilespmem:$0x8000] =	vst v63  }
0xb8: {  	s28 =	sadd.s32 $0x4300, s14;
	s29 =	sadd.s32 $0x300, s14  }
0xb9: {  	[tilespmem:s28], [sflag:$0x1] =	stream.indirect.gather [hbm4b:s4+s8], $0x1, s29, s8, $0xb8;
	[tilespmem:$0x8000] =	vst v63  }
0xba: {  	s30 =	sadd.s32 $0x4380, s14;
	s31 =	sadd.s32 $0x380, s14  }
0xbb: {  	[tilespmem:s30], [sflag:$0x1] =	stream.indirect.gather [hbm4b:s4+s8], $0x1, s31, s8, $0xb8;
	[tilespmem:$0x8000] =	vst v63  }
0xbc: {  	s15 =	sadd.s32 $0x4400, s14;
	s16 =	sadd.s32 $0x400, s14  }
0xbd: {  	[tilespmem:s15], [sflag:$0x1] =	stream.indirect.gather [hbm4b:s4+s8], $0x1, s16, s8, $0xb8;
	[tilespmem:$0x8000] =	vst v63  }
0xbe: {  	s17 =	sadd.s32 $0x4480, s14;
	s18 =	sadd.s32 $0x480, s14  }
0xbf: {  	[tilespmem:s17], [sflag:$0x1] =	stream.indirect.gather [hbm4b:s4+s8], $0x1, s18, s8, $0xb8;
	[tilespmem:$0x8000] =	vst v63  }
0xc0: {  	s19 =	sadd.s32 $0x4500, s14;
	s20 =	sadd.s32 $0x500, s14  }
0xc1: {  	[tilespmem:s19], [sflag:$0x1] =	stream.indirect.gather [hbm4b:s4+s8], $0x1, s20, s8, $0xb8;
	[tilespmem:$0x8000] =	vst v63  }
0xc2: {  	s21 =	sadd.s32 $0x4580, s14;
	s22 =	sadd.s32 $0x580, s14  }
0xc3: {  	[tilespmem:s21], [sflag:$0x1] =	stream.indirect.gather [hbm4b:s4+s8], $0x1, s22, s8, $0xb8;
	[tilespmem:$0x8000] =	vst v63  }
0xc4: {  	s23 =	sadd.s32 $0x4600, s14;
	s24 =	sadd.s32 $0x600, s14  }
0xc5: {  	[tilespmem:s23], [sflag:$0x1] =	stream.indirect.gather [hbm4b:s4+s8], $0x1, s24, s8, $0xb8;
	[tilespmem:$0x8000] =	vst v63  }
0xc6: {  	s25 =	sadd.s32 $0x4680, s14;
	s26 =	sadd.s32 $0x680, s14  }
0xc7: {  	[tilespmem:s25], [sflag:$0x1] =	stream.indirect.gather [hbm4b:s4+s8], $0x1, s26, s8, $0xb8;
	[tilespmem:$0x8000] =	vst v63  }
0xc8: {  	s28 =	sadd.s32 $0x4700, s14;
	s29 =	sadd.s32 $0x700, s14  }
0xc9: {  	[tilespmem:s28], [sflag:$0x1] =	stream.indirect.gather [hbm4b:s4+s8], $0x1, s29, s8, $0xb8;
	[tilespmem:$0x8000] =	vst v63  }
0xca: {  	s30 =	sadd.s32 $0x4780, s14;
	s31 =	sadd.s32 $0x780, s14  }
0xcb: {  	[tilespmem:s30], [sflag:$0x1] =	stream.indirect.gather [hbm4b:s4+s8], $0x1, s31, s8, $0xb8;
	[tilespmem:$0x8000] =	vst v63  }
0xcc: {  	_ =	swait.ge [sflag:s9], $0x80  }
0xcd: {  	[sflag:s9] =	ssyncset.done $0x0  }
0xce: {  	[sflag:s9] =	ssyncadd.s32 $0xFFFFFF80  }
0xcf: {  	_ =	swait.ge [sflag:s9], $0x80  }
0xd0: {  	[sflag:s9] =	ssyncset.done $0x0  }
0xd1: {  	[sflag:s9] =	ssyncadd.s32 $0xFFFFFF80  }
0xd2: {  	_ =	swait.ge [sflag:s9], $0x80  }
0xd3: {  	[sflag:s9] =	ssyncset.done $0x0  }
0xd4: {  	[sflag:s9] =	ssyncadd.s32 $0xFFFFFF80  }
0xd5: {  	_ =	swait.ge [sflag:s9], $0x80  }
0xd6: {  	[sflag:s9] =	ssyncset.done $0x0  }
0xd7: {  	[sflag:s9] =	ssyncadd.s32 $0xFFFFFF80  }
0xd8: {  	_ =	swait.ge [sflag:s9], $0x80  }
0xd9: {  	[sflag:s9] =	ssyncset.done $0x0  }
0xda: {  	[sflag:s9] =	ssyncadd.s32 $0xFFFFFF80  }
0xdb: {  	_ =	swait.ge [sflag:s9], $0x80  }
0xdc: {  	[sflag:s9] =	ssyncset.done $0x0  }
0xdd: {  	[sflag:s9] =	ssyncadd.s32 $0xFFFFFF80  }
0xde: {  	_ =	swait.ge [sflag:s9], $0x80  }
0xdf: {  	[sflag:s9] =	ssyncset.done $0x0  }
0xe0: {  	[sflag:s9] =	ssyncadd.s32 $0xFFFFFF80  }
0xe1: {  	_ =	swait.ge [sflag:s9], $0x80  }
0xe2: {  	[sflag:s9] =	ssyncset.done $0x0  }
0xe3: {  	[sflag:s9] =	ssyncadd.s32 $0xFFFFFF80  }
0xe4: {  	_ =	swait.ge [sflag:s9], $0x80  }
0xe5: {  	[sflag:s9] =	ssyncset.done $0x0  }
0xe6: {  	[sflag:s9] =	ssyncadd.s32 $0xFFFFFF80  }
0xe7: {  	_ =	swait.ge [sflag:s9], $0x80  }
0xe8: {  	[sflag:s9] =	ssyncset.done $0x0  }
0xe9: {  	[sflag:s9] =	ssyncadd.s32 $0xFFFFFF80  }
0xea: {  	_ =	swait.ge [sflag:s9], $0x80  }
0xeb: {  	[sflag:s9] =	ssyncset.done $0x0  }
0xec: {  	[sflag:s9] =	ssyncadd.s32 $0xFFFFFF80  }
0xed: {  	_ =	swait.ge [sflag:s9], $0x80  }
0xee: {  	[sflag:s9] =	ssyncset.done $0x0  }
0xef: {  	[sflag:s9] =	ssyncadd.s32 $0xFFFFFF80  }
0xf0: {  	_ =	swait.ge [sflag:s9], $0x80  }
0xf1: {  	[sflag:s9] =	ssyncset.done $0x0  }
0xf2: {  	[sflag:s9] =	ssyncadd.s32 $0xFFFFFF80  }
0xf3: {  	_ =	swait.ge [sflag:s9], $0x80  }
0xf4: {  	[sflag:s9] =	ssyncset.done $0x0  }
0xf5: {  	[sflag:s9] =	ssyncadd.s32 $0xFFFFFF80  }
0xf6: {  	_ =	swait.ge [sflag:s9], $0x80  }
0xf7: {  	[sflag:s9] =	ssyncset.done $0x0  }
0xf8: {  	[sflag:s9] =	ssyncadd.s32 $0xFFFFFF80  }
0xf9: {  	s11 =	sadd.s32 $0x1, s11;
	_ =	swait.ge [sflag:s9], $0x80  }
0xfa: {  	p0 =	sne.s32 s11, s6;
	[sflag:s9] =	ssyncset.done $0x0  }
.Ltmp1:
0xfb: {  	[sflag:s9] =	ssyncadd.s32 $0xFFFFFF80;
	(pc) =	sbr.rel @p0 .LBB2_1-.Ltmp1, $4  }
0xfc: {  	[hbm4b:s5+s3] =	stream.linear.scatter [tilespmem:s10], [sflag:$0x2], $0x4000, $0x38;
	[tilespmem:$0x8000] =	vst v63  }
0xfd: {  	_ =	swait.ge [sflag:s7], $0x4000  }
0xfe: {  	[sflag:s7] =	ssyncset.done $0x0  }
0xff: {  	[sflag:s7] =	ssyncadd.s32 $0xFFFFC000  }
0x100: {  	_ =	sfence.sel $0x180000  }
0x101: {  	[bflag:$0x0] =	sbarrier.arrive $0xFFFF  }
0x102: {  	p0 =	sne.s32 s0, $0x0;
	_ =	strace $0x90000047  }
0x103: {  	s0 =	sadd.s32 @!p0 $0x100000, s1;
	[bflag:$0x2] =	sbarrier.arrive $0xFFFF  }
0x104: {  	[sflag:s0] =	ssyncadd.tile.s32 @!p0 $0x1;
	_ =	shalt  }
.Lfunc_end2:
_tile_overlayer_lowered:
.L_overlay_start_2:
0x105: {  	(tag) =	ssettag $0x2  }
0x106: {  	s0 =	rddreg [dreg:$0x0];
	s2 =	stileid.u32  }
0x107: {  	s1 =	rddreg [dreg:$0x1];
	p0 =	sne.s32 s2, $0x0  }
0x108: {  	s3 =	rddreg [dreg:$0x2];
	[bflag:$0x3] =	sbarrier.arrive $0xFFFF;
	s2 =	simm.s32 @!p0 $0x1C02  }
0x109: {  	[timem:s3], [sflag:s2] =	dma.local @!p0 [hbm:s0], s1  }
0x10a: {  	s0 =	simm.s32 @!p0 $0x2  }
0x10b: {  	_ =	swait.ge @!p0 [sflag:s0], s1  }
0x10c: {  	s1 =	ssub.s32 @!p0 $0x0, s1;
	[sflag:s0] =	ssyncset.done @!p0 $0x0  }
0x10d: {  	[sflag:s0] =	ssyncadd.s32 @!p0 s1  }
0x10e: {  	[bflag:$0x3] =	sbarrier.arrive $0xFFFF  }
0x10f: {  	_ =	shalt  }

</sc_bundles>
